<compile_context>
chip_gen: v7x
topology: tpu7x:2x2x1
jax: 0.10.2.dev20260603
libtpu: 0.0.44.dev20260713+nightly
codegen_flags: <defaults>
</compile_context>

<pallas_src>
import functools

import jax
import jax.numpy as jnp
from jax import lax
from jax.experimental import pallas as pl
from jax.experimental.pallas import tpu as pltpu
from jax.experimental.pallas import tpu_sc as plsc

_S = 8
_D = 1024
_H1 = 512
_H2 = 256
_N = 8192

_TILE = 256
_NT = _N // _TILE + _S
_NPAD = _NT * _TILE

_NC = 2
_NS = 16
_NW = _NC * _NS
_BPW = _N // _NW
_CHUNK = 32
_NCH = _BPW // _CHUNK

_BLK = 128
_NB = _N // _BLK


def _routing(species):
    species = species.astype(jnp.int32)
    oh = (species[:, None] == jnp.arange(_S, dtype=jnp.int32)[None, :])
    ohf = oh.astype(jnp.float32)
    ohb = ohf.reshape(_NB, _BLK, _S)
    ltri = jnp.tril(jnp.ones((_BLK, _BLK), jnp.float32))
    within = jnp.einsum('ij,bjs->bis', ltri, ohb,
                        preferred_element_type=jnp.float32)
    bsum = jnp.sum(ohb, axis=1)
    bpref = jnp.cumsum(bsum, axis=0) - bsum
    ranks = (within + bpref[:, None, :]).reshape(_N, _S)
    counts = (bpref[-1] + bsum[-1]).astype(jnp.int32)
    myrank = jnp.sum(ranks * ohf, axis=1) - 1.0
    ptiles = (counts + _TILE - 1) // _TILE
    pstart = (jnp.cumsum(ptiles) - ptiles).astype(jnp.int32)
    t = jnp.arange(_NT, dtype=jnp.int32)
    ts = jnp.sum((t[:, None] >= pstart[None, :]).astype(jnp.int32), axis=1) - 1
    ts = jnp.clip(ts, 0, _S - 1).astype(jnp.int32)
    seg0 = jnp.sum(ohf * pstart.astype(jnp.float32)[None, :], axis=1)
    dest = (seg0 * _TILE + myrank).astype(jnp.int32)
    return ts, pstart, counts, dest


def _sc_scatter(aev, dest):
    mesh = plsc.VectorSubcoreMesh(core_axis_name="c", subcore_axis_name="s")

    @functools.partial(
        pl.kernel,
        out_type=jax.ShapeDtypeStruct((_NPAD, _D), jnp.float32),
        mesh=mesh,
        scratch_types=[
            pltpu.VMEM((_NCH, _CHUNK), jnp.int32),
            pltpu.VMEM((3, _CHUNK, _D), jnp.float32),
            pltpu.SemaphoreType.DMA,
            pltpu.SemaphoreType.DMA,
            pltpu.SemaphoreType.DMA,
            pltpu.SemaphoreType.DMA,
            pltpu.SemaphoreType.DMA,
            pltpu.SemaphoreType.DMA,
        ],
    )
    def scatter_kernel(aev_hbm, dest_hbm, out_hbm, idx_v, rows_v,
                       g0, g1, g2, s0, s1, s2):
        gsems = (g0, g1, g2)
        ssems = (s0, s1, s2)
        wid = lax.axis_index("s") * _NC + lax.axis_index("c")
        pltpu.sync_copy(dest_hbm.at[wid], idx_v)
        base = wid * _BPW
        rd = [None] * _NCH
        wr = [None] * _NCH
        for c in range(min(2, _NCH)):
            rd[c] = pltpu.async_copy(
                aev_hbm.at[pl.ds(base + c * _CHUNK, _CHUNK)],
                rows_v.at[c % 3], gsems[c % 3])
        for c in range(_NCH):
            rd[c].wait()
            wr[c] = pltpu.async_copy(
                rows_v.at[c % 3], out_hbm.at[idx_v.at[c]], ssems[c % 3])
            if c + 2 < _NCH:
                if c >= 1:
                    wr[c - 1].wait()
                rd[c + 2] = pltpu.async_copy(
                    aev_hbm.at[pl.ds(base + (c + 2) * _CHUNK, _CHUNK)],
                    rows_v.at[(c + 2) % 3], gsems[(c + 2) % 3])
        for c in range(max(_NCH - 3, 0), _NCH):
            wr[c].wait()

    return scatter_kernel(aev, dest.reshape(_NW, _NCH, _CHUNK))


def _mlp_body(ts_ref, pstart_ref, counts_ref, b3_ref,
              xl_ref, xr_ref, W1_ref, b1_ref, W2_ref, b2_ref, w3_ref,
              out_ref):
    i = pl.program_id(0)
    s = ts_ref[i]
    row = lax.broadcasted_iota(jnp.int32, (_TILE, 1), 0)
    off0 = (i - pstart_ref[s]) * _TILE
    valid_b = (row + off0) < counts_ref[s]
    xl = jnp.where(valid_b, xl_ref[...], 0.0)
    xr = jnp.where(valid_b, xr_ref[...], 0.0)
    h = (jnp.dot(xl, W1_ref[s, :_D // 2], preferred_element_type=jnp.float32)
         + jnp.dot(xr, W1_ref[s, _D // 2:], preferred_element_type=jnp.float32))
    h = h + b1_ref[s]
    h = jnp.where(h > 0.0, h, jnp.exp(h) - 1.0)
    h = jnp.dot(h, W2_ref[s], preferred_element_type=jnp.float32)
    h = h + b2_ref[s]
    h = jnp.where(h > 0.0, h, jnp.exp(h) - 1.0)
    valid = valid_b.astype(jnp.float32)
    hsum = jnp.sum(h * valid, axis=0, keepdims=True)
    tile_e = jnp.sum(hsum * w3_ref[s]) + b3_ref[s] * jnp.sum(valid)

    @pl.when(i == 0)
    def _init():
        out_ref[0, 0] = 0.0

    out_ref[0, 0] += tile_e


def _mlp_call(xg, ts, pstart, counts, W1, b1, W2, b2, W3, b3):
    grid_spec = pltpu.PrefetchScalarGridSpec(
        num_scalar_prefetch=4,
        grid=(_NT,),
        in_specs=[
            pl.BlockSpec((_TILE, _D // 2), lambda i, ts, ps, cn, b3: (i, 0)),
            pl.BlockSpec((_TILE, _D // 2), lambda i, ts, ps, cn, b3: (i, 1)),
            pl.BlockSpec((_S, _D, _H1), lambda i, ts, ps, cn, b3: (0, 0, 0)),
            pl.BlockSpec((_S, 1, _H1), lambda i, ts, ps, cn, b3: (0, 0, 0)),
            pl.BlockSpec((_S, _H1, _H2), lambda i, ts, ps, cn, b3: (0, 0, 0)),
            pl.BlockSpec((_S, 1, _H2), lambda i, ts, ps, cn, b3: (0, 0, 0)),
            pl.BlockSpec((_S, 1, _H2), lambda i, ts, ps, cn, b3: (0, 0, 0)),
        ],
        out_specs=pl.BlockSpec(memory_space=pltpu.SMEM),
    )
    return pl.pallas_call(
        _mlp_body,
        grid_spec=grid_spec,
        out_shape=jax.ShapeDtypeStruct((1, 1), jnp.float32),
    )(ts, pstart, counts, b3.reshape(_S),
      xg, xg, W1, b1.reshape(_S, 1, _H1), W2, b2.reshape(_S, 1, _H2),
      W3.reshape(_S, 1, _H2))


def kernel(aev, species, W1, b1, W2, b2, W3, b3):
    ts, pstart, counts, dest = _routing(species)
    xg = _sc_scatter(aev, dest)
    total = _mlp_call(xg, ts, pstart, counts, W1, b1, W2, b2, W3, b3)
    return total.reshape(1)

# --- scband reference (transcript-rebuilt; emitter-appended) ---
"""Pipeline reference for scband-infer-model-88252987998604 (READ-ONLY COPY).

The authoritative reference and input builder live on the scoring server;
editing this copy changes nothing except your own understanding.
"""

import jax, jax.numpy as jnp
import numpy as np

S = 8
D = 1024
H1 = 512
H2 = 256
N = 8192

def setup_inputs(seed: int = 0) -> dict:
    key = jax.random.key(seed)
    ks = jax.random.split(key, 8)
    aev = jax.random.normal(ks[0], (N, D), dtype=jnp.float32)
    species = jax.random.randint(ks[1], (N,), 0, S)
    W1 = jax.random.normal(ks[2], (S, D, H1), dtype=jnp.float32) * (1.0 / np.sqrt(D))
    b1 = jax.random.normal(ks[3], (S, H1), dtype=jnp.float32) * 0.01
    W2 = jax.random.normal(ks[4], (S, H1, H2), dtype=jnp.float32) * (1.0 / np.sqrt(H1))
    b2 = jax.random.normal(ks[5], (S, H2), dtype=jnp.float32) * 0.01
    W3 = jax.random.normal(ks[6], (S, H2, 1), dtype=jnp.float32) * (1.0 / np.sqrt(H2))
    b3 = jax.random.normal(ks[7], (S, 1), dtype=jnp.float32) * 0.01
    return {"aev": aev, "species": species, "W1": W1, "b1": b1, "W2": W2, "b2": b2, "W3": W3, "b3": b3}

def reference(aev, species, W1, b1, W2, b2, W3, b3):
    # InferModel / MultiNetFunction semantics: each atom (token) is routed to the
    # atomic network of its species; per-atom scalar energies are summed into a
    # single total energy of shape [1].  Here each species network is a
    # 3-layer MLP (D -> H1 -> H2 -> 1) with CELU activations, evaluated for all
    # species and masked by the species one-hot selection (mathematically
    # identical to index_select + per-species forward + sum).
    h = jax.nn.celu(jnp.einsum('nd,sdh->snh', aev, W1) + b1[:, None, :])
    h = jax.nn.celu(jnp.einsum('snh,shk->snk', h, W2) + b2[:, None, :])
    e = (jnp.einsum('snk,sko->sno', h, W3) + b3[:, None, :])[..., 0]  # [S, N]
    sel = (species[None, :] == jnp.arange(S)[:, None]).astype(e.dtype)  # [S, N]
    total = jnp.sum(e * sel)
    return total.reshape(1)

if __name__ == "__main__":
    import jax
    _d = setup_inputs()
    print(jax.jit(kernel)(*tuple(_d.values())))

</pallas_src>

<mosaic_0001>
#map = affine_map<(d0, d1) -> (0, 0)>
#map1 = affine_map<(d0, d1) -> (0, 0, 0)>
module attributes {stable_mosaic.version = 14 : i64} {
  func.func @scatter_kernel(%arg0: i32, %arg1: i32, %arg2: memref<8192x1024xf32, #tpu.memory_space<hbm>>, %arg3: memref<32x8x32xi32, #tpu.memory_space<hbm>>, %arg4: memref<10240x1024xf32, #tpu.memory_space<hbm>>, %arg5: memref<8x32xi32, #tpu.memory_space<vmem>>, %arg6: memref<3x32x1024xf32, #tpu.memory_space<vmem>>, %arg7: memref<!tpu.dma_semaphore, #tpu.memory_space<semaphore_mem>>, %arg8: memref<!tpu.dma_semaphore, #tpu.memory_space<semaphore_mem>>, %arg9: memref<!tpu.dma_semaphore, #tpu.memory_space<semaphore_mem>>, %arg10: memref<!tpu.dma_semaphore, #tpu.memory_space<semaphore_mem>>, %arg11: memref<!tpu.dma_semaphore, #tpu.memory_space<semaphore_mem>>, %arg12: memref<!tpu.dma_semaphore, #tpu.memory_space<semaphore_mem>>) attributes {dimension_semantics = [#tpu.dimension_semantics<core_parallel>, #tpu.dimension_semantics<subcore_parallel>], iteration_bounds = array<i64: 2, 16>, scalar_prefetch = 0 : i64, scratch_operands = 8 : i64, tpu.core_type = #tpu.core_type<sc_vector_subcore>, window_params = [{transform_indices = #map}, {transform_indices = #map1}, {transform_indices = #map}]} {
    %mul3A = arith.constant 2 : i32
    %mul3A_0 = arith.muli %arg1, %mul3A : i32
    %add3A = arith.addi %mul3A_0, %arg0 : i32
    "tpu.region"() ({
      %run_scoped3A = tpu.sem_alloc : memref<!tpu.dma_semaphore, #tpu.memory_space<semaphore_mem>>
      %dma_start3A_417 = arith.constant 0 : i32
      %dma_start3A_418 = arith.constant 0 : i32
      %dma_start3A_419 = tpu.memref_slice %arg3[%add3A, %dma_start3A_417, %dma_start3A_418] : memref<32x8x32xi32, #tpu.memory_space<hbm>> -> memref<1x8x32xi32, #tpu.memory_space<hbm>>
      %dma_start3A_420 = tpu.memref_squeeze %dma_start3A_419 : memref<1x8x32xi32, #tpu.memory_space<hbm>> -> memref<8x32xi32, #tpu.memory_space<hbm>>
      %dma_start3A_421 = arith.constant 0 : i32
      %dma_start3A_422 = arith.constant 0 : i32
      %dma_start3A_423 = tpu.memref_slice %arg3[%add3A, %dma_start3A_421, %dma_start3A_422] : memref<32x8x32xi32, #tpu.memory_space<hbm>> -> memref<1x8x32xi32, #tpu.memory_space<hbm>>
      %dma_start3A_424 = tpu.memref_squeeze %dma_start3A_423 : memref<1x8x32xi32, #tpu.memory_space<hbm>> -> memref<8x32xi32, #tpu.memory_space<hbm>>
      tpu.enqueue_dma source(%dma_start3A_424 : memref<8x32xi32, #tpu.memory_space<hbm>>) target(%arg5 : memref<8x32xi32, #tpu.memory_space<vmem>>) target_semaphore(%run_scoped3A : memref<!tpu.dma_semaphore, #tpu.memory_space<semaphore_mem>>)
      %dma_wait3A_425 = arith.constant 0 : i32
      %dma_wait3A_426 = arith.constant 0 : i32
      %dma_wait3A_427 = tpu.memref_slice %arg3[%add3A, %dma_wait3A_425, %dma_wait3A_426] : memref<32x8x32xi32, #tpu.memory_space<hbm>> -> memref<1x8x32xi32, #tpu.memory_space<hbm>>
      %dma_wait3A_428 = tpu.memref_squeeze %dma_wait3A_427 : memref<1x8x32xi32, #tpu.memory_space<hbm>> -> memref<8x32xi32, #tpu.memory_space<hbm>>
      %dma_wait3A_429 = arith.constant 0 : i32
      %dma_wait3A_430 = arith.constant 0 : i32
      %dma_wait3A_431 = tpu.memref_slice %arg3[%add3A, %dma_wait3A_429, %dma_wait3A_430] : memref<32x8x32xi32, #tpu.memory_space<hbm>> -> memref<1x8x32xi32, #tpu.memory_space<hbm>>
      %dma_wait3A_432 = tpu.memref_squeeze %dma_wait3A_431 : memref<1x8x32xi32, #tpu.memory_space<hbm>> -> memref<8x32xi32, #tpu.memory_space<hbm>>
      tpu.wait_dma2 semaphore(%run_scoped3A : memref<!tpu.dma_semaphore, #tpu.memory_space<semaphore_mem>>) src(%dma_wait3A_432 : memref<8x32xi32, #tpu.memory_space<hbm>>) dst(%arg5 : memref<8x32xi32, #tpu.memory_space<vmem>>)
      tpu.yield
    }) : () -> ()
    %mul3A_1 = arith.constant 256 : i32
    %mul3A_2 = arith.muli %add3A, %mul3A_1 : i32
    %add3A_3 = arith.constant 0 : i32
    %add3A_4 = arith.addi %mul3A_2, %add3A_3 : i32
    %dma_start3A = arith.constant 0 : i32
    %dma_start3A_5 = arith.constant 0 : i32
    %dma_start3A_6 = arith.constant 0 : i32
    %dma_start3A_7 = tpu.memref_slice %arg6[%dma_start3A, %dma_start3A_5, %dma_start3A_6] : memref<3x32x1024xf32, #tpu.memory_space<vmem>> -> memref<1x32x1024xf32, #tpu.memory_space<vmem>>
    %dma_start3A_8 = tpu.memref_squeeze %dma_start3A_7 : memref<1x32x1024xf32, #tpu.memory_space<vmem>> -> memref<32x1024xf32, #tpu.memory_space<vmem>>
    %dma_start3A_9 = arith.constant 0 : i32
    %dma_start3A_10 = tpu.memref_slice %arg2[%add3A_4, %dma_start3A_9] : memref<8192x1024xf32, #tpu.memory_space<hbm>> -> memref<32x1024xf32, #tpu.memory_space<hbm>>
    %dma_start3A_11 = arith.constant 0 : i32
    %dma_start3A_12 = arith.constant 0 : i32
    %dma_start3A_13 = tpu.memref_slice %arg6[%dma_start3A, %dma_start3A_11, %dma_start3A_12] : memref<3x32x1024xf32, #tpu.memory_space<vmem>> -> memref<1x32x1024xf32, #tpu.memory_space<vmem>>
    %dma_start3A_14 = tpu.memref_squeeze %dma_start3A_13 : memref<1x32x1024xf32, #tpu.memory_space<vmem>> -> memref<32x1024xf32, #tpu.memory_space<vmem>>
    %dma_start3A_15 = arith.constant 0 : i32
    %dma_start3A_16 = tpu.memref_slice %arg2[%add3A_4, %dma_start3A_15] : memref<8192x1024xf32, #tpu.memory_space<hbm>> -> memref<32x1024xf32, #tpu.memory_space<hbm>>
    tpu.enqueue_dma source(%dma_start3A_16 : memref<32x1024xf32, #tpu.memory_space<hbm>>) target(%dma_start3A_14 : memref<32x1024xf32, #tpu.memory_space<vmem>>) target_semaphore(%arg7 : memref<!tpu.dma_semaphore, #tpu.memory_space<semaphore_mem>>)
    %add3A_17 = arith.constant 32 : i32
    %add3A_18 = arith.addi %mul3A_2, %add3A_17 : i32
    %dma_start3A_19 = arith.constant 1 : i32
    %dma_start3A_20 = arith.constant 0 : i32
    %dma_start3A_21 = arith.constant 0 : i32
    %dma_start3A_22 = tpu.memref_slice %arg6[%dma_start3A_19, %dma_start3A_20, %dma_start3A_21] : memref<3x32x1024xf32, #tpu.memory_space<vmem>> -> memref<1x32x1024xf32, #tpu.memory_space<vmem>>
    %dma_start3A_23 = tpu.memref_squeeze %dma_start3A_22 : memref<1x32x1024xf32, #tpu.memory_space<vmem>> -> memref<32x1024xf32, #tpu.memory_space<vmem>>
    %dma_start3A_24 = arith.constant 0 : i32
    %dma_start3A_25 = tpu.memref_slice %arg2[%add3A_18, %dma_start3A_24] : memref<8192x1024xf32, #tpu.memory_space<hbm>> -> memref<32x1024xf32, #tpu.memory_space<hbm>>
    %dma_start3A_26 = arith.constant 0 : i32
    %dma_start3A_27 = arith.constant 0 : i32
    %dma_start3A_28 = tpu.memref_slice %arg6[%dma_start3A_19, %dma_start3A_26, %dma_start3A_27] : memref<3x32x1024xf32, #tpu.memory_space<vmem>> -> memref<1x32x1024xf32, #tpu.memory_space<vmem>>
    %dma_start3A_29 = tpu.memref_squeeze %dma_start3A_28 : memref<1x32x1024xf32, #tpu.memory_space<vmem>> -> memref<32x1024xf32, #tpu.memory_space<vmem>>
    %dma_start3A_30 = arith.constant 0 : i32
    %dma_start3A_31 = tpu.memref_slice %arg2[%add3A_18, %dma_start3A_30] : memref<8192x1024xf32, #tpu.memory_space<hbm>> -> memref<32x1024xf32, #tpu.memory_space<hbm>>
    tpu.enqueue_dma source(%dma_start3A_31 : memref<32x1024xf32, #tpu.memory_space<hbm>>) target(%dma_start3A_29 : memref<32x1024xf32, #tpu.memory_space<vmem>>) target_semaphore(%arg8 : memref<!tpu.dma_semaphore, #tpu.memory_space<semaphore_mem>>)
    %dma_wait3A = arith.constant 0 : i32
    %dma_wait3A_32 = arith.constant 0 : i32
    %dma_wait3A_33 = arith.constant 0 : i32
    %dma_wait3A_34 = tpu.memref_slice %arg6[%dma_wait3A, %dma_wait3A_32, %dma_wait3A_33] : memref<3x32x1024xf32, #tpu.memory_space<vmem>> -> memref<1x32x1024xf32, #tpu.memory_space<vmem>>
    %dma_wait3A_35 = tpu.memref_squeeze %dma_wait3A_34 : memref<1x32x1024xf32, #tpu.memory_space<vmem>> -> memref<32x1024xf32, #tpu.memory_space<vmem>>
    %dma_wait3A_36 = arith.constant 0 : i32
    %dma_wait3A_37 = tpu.memref_slice %arg2[%add3A_4, %dma_wait3A_36] : memref<8192x1024xf32, #tpu.memory_space<hbm>> -> memref<32x1024xf32, #tpu.memory_space<hbm>>
    %dma_wait3A_38 = arith.constant 0 : i32
    %dma_wait3A_39 = arith.constant 0 : i32
    %dma_wait3A_40 = tpu.memref_slice %arg6[%dma_wait3A, %dma_wait3A_38, %dma_wait3A_39] : memref<3x32x1024xf32, #tpu.memory_space<vmem>> -> memref<1x32x1024xf32, #tpu.memory_space<vmem>>
    %dma_wait3A_41 = tpu.memref_squeeze %dma_wait3A_40 : memref<1x32x1024xf32, #tpu.memory_space<vmem>> -> memref<32x1024xf32, #tpu.memory_space<vmem>>
    %dma_wait3A_42 = arith.constant 0 : i32
    %dma_wait3A_43 = tpu.memref_slice %arg2[%add3A_4, %dma_wait3A_42] : memref<8192x1024xf32, #tpu.memory_space<hbm>> -> memref<32x1024xf32, #tpu.memory_space<hbm>>
    tpu.wait_dma2 semaphore(%arg7 : memref<!tpu.dma_semaphore, #tpu.memory_space<semaphore_mem>>) src(%dma_wait3A_43 : memref<32x1024xf32, #tpu.memory_space<hbm>>) dst(%dma_wait3A_41 : memref<32x1024xf32, #tpu.memory_space<vmem>>)
    %dma_start3A_44 = arith.constant 0 : i32
    %dma_start3A_45 = arith.constant 0 : i32
    %dma_start3A_46 = arith.constant 0 : i32
    %dma_start3A_47 = arith.constant 0 : i32
    %dma_start3A_48 = tpu.memref_slice %arg6[%dma_start3A_44, %dma_start3A_46, %dma_start3A_47] : memref<3x32x1024xf32, #tpu.memory_space<vmem>> -> memref<1x32x1024xf32, #tpu.memory_space<vmem>>
    %dma_start3A_49 = tpu.memref_squeeze %dma_start3A_48 : memref<1x32x1024xf32, #tpu.memory_space<vmem>> -> memref<32x1024xf32, #tpu.memory_space<vmem>>
    %dma_start3A_50 = arith.constant 0 : i32
    %dma_start3A_51 = tpu.memref_slice %arg5[%dma_start3A_45, %dma_start3A_50] : memref<8x32xi32, #tpu.memory_space<vmem>> -> memref<1x32xi32, #tpu.memory_space<vmem>>
    %dma_start3A_52 = tpu.memref_squeeze %dma_start3A_51 : memref<1x32xi32, #tpu.memory_space<vmem>> -> memref<32xi32, #tpu.memory_space<vmem>>
    %dma_start3A_53 = arith.constant 0 : i32
    %dma_start3A_54 = arith.constant 0 : i32
    %dma_start3A_55 = tpu.memref_slice %arg4[%dma_start3A_53, %dma_start3A_54] : memref<10240x1024xf32, #tpu.memory_space<hbm>> -> memref<10240x1024xf32, #tpu.memory_space<hbm>>
    tpu.enqueue_indirect_dma source(%dma_start3A_49 : memref<32x1024xf32, #tpu.memory_space<vmem>>) target(%dma_start3A_55 : memref<10240x1024xf32, #tpu.memory_space<hbm>>) offsets(%dma_start3A_52 : memref<32xi32, #tpu.memory_space<vmem>>) semaphore(%arg10 : memref<!tpu.dma_semaphore, #tpu.memory_space<semaphore_mem>>)
    %add3A_56 = arith.constant 64 : i32
    %add3A_57 = arith.addi %mul3A_2, %add3A_56 : i32
    %dma_start3A_58 = arith.constant 2 : i32
    %dma_start3A_59 = arith.constant 0 : i32
    %dma_start3A_60 = arith.constant 0 : i32
    %dma_start3A_61 = tpu.memref_slice %arg6[%dma_start3A_58, %dma_start3A_59, %dma_start3A_60] : memref<3x32x1024xf32, #tpu.memory_space<vmem>> -> memref<1x32x1024xf32, #tpu.memory_space<vmem>>
    %dma_start3A_62 = tpu.memref_squeeze %dma_start3A_61 : memref<1x32x1024xf32, #tpu.memory_space<vmem>> -> memref<32x1024xf32, #tpu.memory_space<vmem>>
    %dma_start3A_63 = arith.constant 0 : i32
    %dma_start3A_64 = tpu.memref_slice %arg2[%add3A_57, %dma_start3A_63] : memref<8192x1024xf32, #tpu.memory_space<hbm>> -> memref<32x1024xf32, #tpu.memory_space<hbm>>
    %dma_start3A_65 = arith.constant 0 : i32
    %dma_start3A_66 = arith.constant 0 : i32
    %dma_start3A_67 = tpu.memref_slice %arg6[%dma_start3A_58, %dma_start3A_65, %dma_start3A_66] : memref<3x32x1024xf32, #tpu.memory_space<vmem>> -> memref<1x32x1024xf32, #tpu.memory_space<vmem>>
    %dma_start3A_68 = tpu.memref_squeeze %dma_start3A_67 : memref<1x32x1024xf32, #tpu.memory_space<vmem>> -> memref<32x1024xf32, #tpu.memory_space<vmem>>
    %dma_start3A_69 = arith.constant 0 : i32
    %dma_start3A_70 = tpu.memref_slice %arg2[%add3A_57, %dma_start3A_69] : memref<8192x1024xf32, #tpu.memory_space<hbm>> -> memref<32x1024xf32, #tpu.memory_space<hbm>>
    tpu.enqueue_dma source(%dma_start3A_70 : memref<32x1024xf32, #tpu.memory_space<hbm>>) target(%dma_start3A_68 : memref<32x1024xf32, #tpu.memory_space<vmem>>) target_semaphore(%arg9 : memref<!tpu.dma_semaphore, #tpu.memory_space<semaphore_mem>>)
    %dma_wait3A_71 = arith.constant 1 : i32
    %dma_wait3A_72 = arith.constant 0 : i32
    %dma_wait3A_73 = arith.constant 0 : i32
    %dma_wait3A_74 = tpu.memref_slice %arg6[%dma_wait3A_71, %dma_wait3A_72, %dma_wait3A_73] : memref<3x32x1024xf32, #tpu.memory_space<vmem>> -> memref<1x32x1024xf32, #tpu.memory_space<vmem>>
    %dma_wait3A_75 = tpu.memref_squeeze %dma_wait3A_74 : memref<1x32x1024xf32, #tpu.memory_space<vmem>> -> memref<32x1024xf32, #tpu.memory_space<vmem>>
    %dma_wait3A_76 = arith.constant 0 : i32
    %dma_wait3A_77 = tpu.memref_slice %arg2[%add3A_18, %dma_wait3A_76] : memref<8192x1024xf32, #tpu.memory_space<hbm>> -> memref<32x1024xf32, #tpu.memory_space<hbm>>
    %dma_wait3A_78 = arith.constant 0 : i32
    %dma_wait3A_79 = arith.constant 0 : i32
    %dma_wait3A_80 = tpu.memref_slice %arg6[%dma_wait3A_71, %dma_wait3A_78, %dma_wait3A_79] : memref<3x32x1024xf32, #tpu.memory_space<vmem>> -> memref<1x32x1024xf32, #tpu.memory_space<vmem>>
    %dma_wait3A_81 = tpu.memref_squeeze %dma_wait3A_80 : memref<1x32x1024xf32, #tpu.memory_space<vmem>> -> memref<32x1024xf32, #tpu.memory_space<vmem>>
    %dma_wait3A_82 = arith.constant 0 : i32
    %dma_wait3A_83 = tpu.memref_slice %arg2[%add3A_18, %dma_wait3A_82] : memref<8192x1024xf32, #tpu.memory_space<hbm>> -> memref<32x1024xf32, #tpu.memory_space<hbm>>
    tpu.wait_dma2 semaphore(%arg8 : memref<!tpu.dma_semaphore, #tpu.memory_space<semaphore_mem>>) src(%dma_wait3A_83 : memref<32x1024xf32, #tpu.memory_space<hbm>>) dst(%dma_wait3A_81 : memref<32x1024xf32, #tpu.memory_space<vmem>>)
    %dma_start3A_84 = arith.constant 1 : i32
    %dma_start3A_85 = arith.constant 1 : i32
    %dma_start3A_86 = arith.constant 0 : i32
    %dma_start3A_87 = arith.constant 0 : i32
    %dma_start3A_88 = tpu.memref_slice %arg6[%dma_start3A_84, %dma_start3A_86, %dma_start3A_87] : memref<3x32x1024xf32, #tpu.memory_space<vmem>> -> memref<1x32x1024xf32, #tpu.memory_space<vmem>>
    %dma_start3A_89 = tpu.memref_squeeze %dma_start3A_88 : memref<1x32x1024xf32, #tpu.memory_space<vmem>> -> memref<32x1024xf32, #tpu.memory_space<vmem>>
    %dma_start3A_90 = arith.constant 0 : i32
    %dma_start3A_91 = tpu.memref_slice %arg5[%dma_start3A_85, %dma_start3A_90] : memref<8x32xi32, #tpu.memory_space<vmem>> -> memref<1x32xi32, #tpu.memory_space<vmem>>
    %dma_start3A_92 = tpu.memref_squeeze %dma_start3A_91 : memref<1x32xi32, #tpu.memory_space<vmem>> -> memref<32xi32, #tpu.memory_space<vmem>>
    %dma_start3A_93 = arith.constant 0 : i32
    %dma_start3A_94 = arith.constant 0 : i32
    %dma_start3A_95 = tpu.memref_slice %arg4[%dma_start3A_93, %dma_start3A_94] : memref<10240x1024xf32, #tpu.memory_space<hbm>> -> memref<10240x1024xf32, #tpu.memory_space<hbm>>
    tpu.enqueue_indirect_dma source(%dma_start3A_89 : memref<32x1024xf32, #tpu.memory_space<vmem>>) target(%dma_start3A_95 : memref<10240x1024xf32, #tpu.memory_space<hbm>>) offsets(%dma_start3A_92 : memref<32xi32, #tpu.memory_space<vmem>>) semaphore(%arg11 : memref<!tpu.dma_semaphore, #tpu.memory_space<semaphore_mem>>)
    %dma_wait3A_96 = arith.constant 0 : i32
    %dma_wait3A_97 = arith.constant 0 : i32
    %dma_wait3A_98 = arith.constant 0 : i32
    %dma_wait3A_99 = arith.constant 0 : i32
    %dma_wait3A_100 = tpu.memref_slice %arg6[%dma_wait3A_96, %dma_wait3A_98, %dma_wait3A_99] : memref<3x32x1024xf32, #tpu.memory_space<vmem>> -> memref<1x32x1024xf32, #tpu.memory_space<vmem>>
    %dma_wait3A_101 = tpu.memref_squeeze %dma_wait3A_100 : memref<1x32x1024xf32, #tpu.memory_space<vmem>> -> memref<32x1024xf32, #tpu.memory_space<vmem>>
    %dma_wait3A_102 = arith.constant 0 : i32
    %dma_wait3A_103 = tpu.memref_slice %arg5[%dma_wait3A_97, %dma_wait3A_102] : memref<8x32xi32, #tpu.memory_space<vmem>> -> memref<1x32xi32, #tpu.memory_space<vmem>>
    %dma_wait3A_104 = tpu.memref_squeeze %dma_wait3A_103 : memref<1x32xi32, #tpu.memory_space<vmem>> -> memref<32xi32, #tpu.memory_space<vmem>>
    %dma_wait3A_105 = arith.constant 0 : i32
    %dma_wait3A_106 = arith.constant 0 : i32
    %dma_wait3A_107 = tpu.memref_slice %arg4[%dma_wait3A_105, %dma_wait3A_106] : memref<10240x1024xf32, #tpu.memory_space<hbm>> -> memref<10240x1024xf32, #tpu.memory_space<hbm>>
    tpu.wait_indirect_dma semaphore(%arg10 : memref<!tpu.dma_semaphore, #tpu.memory_space<semaphore_mem>>) src(%dma_wait3A_101 : memref<32x1024xf32, #tpu.memory_space<vmem>>) dst(%dma_wait3A_107 : memref<10240x1024xf32, #tpu.memory_space<hbm>>)
    %add3A_108 = arith.constant 96 : i32
    %add3A_109 = arith.addi %mul3A_2, %add3A_108 : i32
    %dma_start3A_110 = arith.constant 0 : i32
    %dma_start3A_111 = arith.constant 0 : i32
    %dma_start3A_112 = arith.constant 0 : i32
    %dma_start3A_113 = tpu.memref_slice %arg6[%dma_start3A_110, %dma_start3A_111, %dma_start3A_112] : memref<3x32x1024xf32, #tpu.memory_space<vmem>> -> memref<1x32x1024xf32, #tpu.memory_space<vmem>>
    %dma_start3A_114 = tpu.memref_squeeze %dma_start3A_113 : memref<1x32x1024xf32, #tpu.memory_space<vmem>> -> memref<32x1024xf32, #tpu.memory_space<vmem>>
    %dma_start3A_115 = arith.constant 0 : i32
    %dma_start3A_116 = tpu.memref_slice %arg2[%add3A_109, %dma_start3A_115] : memref<8192x1024xf32, #tpu.memory_space<hbm>> -> memref<32x1024xf32, #tpu.memory_space<hbm>>
    %dma_start3A_117 = arith.constant 0 : i32
    %dma_start3A_118 = arith.constant 0 : i32
    %dma_start3A_119 = tpu.memref_slice %arg6[%dma_start3A_110, %dma_start3A_117, %dma_start3A_118] : memref<3x32x1024xf32, #tpu.memory_space<vmem>> -> memref<1x32x1024xf32, #tpu.memory_space<vmem>>
    %dma_start3A_120 = tpu.memref_squeeze %dma_start3A_119 : memref<1x32x1024xf32, #tpu.memory_space<vmem>> -> memref<32x1024xf32, #tpu.memory_space<vmem>>
    %dma_start3A_121 = arith.constant 0 : i32
    %dma_start3A_122 = tpu.memref_slice %arg2[%add3A_109, %dma_start3A_121] : memref<8192x1024xf32, #tpu.memory_space<hbm>> -> memref<32x1024xf32, #tpu.memory_space<hbm>>
    tpu.enqueue_dma source(%dma_start3A_122 : memref<32x1024xf32, #tpu.memory_space<hbm>>) target(%dma_start3A_120 : memref<32x1024xf32, #tpu.memory_space<vmem>>) target_semaphore(%arg7 : memref<!tpu.dma_semaphore, #tpu.memory_space<semaphore_mem>>)
    %dma_wait3A_123 = arith.constant 2 : i32
    %dma_wait3A_124 = arith.constant 0 : i32
    %dma_wait3A_125 = arith.constant 0 : i32
    %dma_wait3A_126 = tpu.memref_slice %arg6[%dma_wait3A_123, %dma_wait3A_124, %dma_wait3A_125] : memref<3x32x1024xf32, #tpu.memory_space<vmem>> -> memref<1x32x1024xf32, #tpu.memory_space<vmem>>
    %dma_wait3A_127 = tpu.memref_squeeze %dma_wait3A_126 : memref<1x32x1024xf32, #tpu.memory_space<vmem>> -> memref<32x1024xf32, #tpu.memory_space<vmem>>
    %dma_wait3A_128 = arith.constant 0 : i32
    %dma_wait3A_129 = tpu.memref_slice %arg2[%add3A_57, %dma_wait3A_128] : memref<8192x1024xf32, #tpu.memory_space<hbm>> -> memref<32x1024xf32, #tpu.memory_space<hbm>>
    %dma_wait3A_130 = arith.constant 0 : i32
    %dma_wait3A_131 = arith.constant 0 : i32
    %dma_wait3A_132 = tpu.memref_slice %arg6[%dma_wait3A_123, %dma_wait3A_130, %dma_wait3A_131] : memref<3x32x1024xf32, #tpu.memory_space<vmem>> -> memref<1x32x1024xf32, #tpu.memory_space<vmem>>
    %dma_wait3A_133 = tpu.memref_squeeze %dma_wait3A_132 : memref<1x32x1024xf32, #tpu.memory_space<vmem>> -> memref<32x1024xf32, #tpu.memory_space<vmem>>
    %dma_wait3A_134 = arith.constant 0 : i32
    %dma_wait3A_135 = tpu.memref_slice %arg2[%add3A_57, %dma_wait3A_134] : memref<8192x1024xf32, #tpu.memory_space<hbm>> -> memref<32x1024xf32, #tpu.memory_space<hbm>>
    tpu.wait_dma2 semaphore(%arg9 : memref<!tpu.dma_semaphore, #tpu.memory_space<semaphore_mem>>) src(%dma_wait3A_135 : memref<32x1024xf32, #tpu.memory_space<hbm>>) dst(%dma_wait3A_133 : memref<32x1024xf32, #tpu.memory_space<vmem>>)
    %dma_start3A_136 = arith.constant 2 : i32
    %dma_start3A_137 = arith.constant 2 : i32
    %dma_start3A_138 = arith.constant 0 : i32
    %dma_start3A_139 = arith.constant 0 : i32
    %dma_start3A_140 = tpu.memref_slice %arg6[%dma_start3A_136, %dma_start3A_138, %dma_start3A_139] : memref<3x32x1024xf32, #tpu.memory_space<vmem>> -> memref<1x32x1024xf32, #tpu.memory_space<vmem>>
    %dma_start3A_141 = tpu.memref_squeeze %dma_start3A_140 : memref<1x32x1024xf32, #tpu.memory_space<vmem>> -> memref<32x1024xf32, #tpu.memory_space<vmem>>
    %dma_start3A_142 = arith.constant 0 : i32
    %dma_start3A_143 = tpu.memref_slice %arg5[%dma_start3A_137, %dma_start3A_142] : memref<8x32xi32, #tpu.memory_space<vmem>> -> memref<1x32xi32, #tpu.memory_space<vmem>>
    %dma_start3A_144 = tpu.memref_squeeze %dma_start3A_143 : memref<1x32xi32, #tpu.memory_space<vmem>> -> memref<32xi32, #tpu.memory_space<vmem>>
    %dma_start3A_145 = arith.constant 0 : i32
    %dma_start3A_146 = arith.constant 0 : i32
    %dma_start3A_147 = tpu.memref_slice %arg4[%dma_start3A_145, %dma_start3A_146] : memref<10240x1024xf32, #tpu.memory_space<hbm>> -> memref<10240x1024xf32, #tpu.memory_space<hbm>>
    tpu.enqueue_indirect_dma source(%dma_start3A_141 : memref<32x1024xf32, #tpu.memory_space<vmem>>) target(%dma_start3A_147 : memref<10240x1024xf32, #tpu.memory_space<hbm>>) offsets(%dma_start3A_144 : memref<32xi32, #tpu.memory_space<vmem>>) semaphore(%arg12 : memref<!tpu.dma_semaphore, #tpu.memory_space<semaphore_mem>>)
    %dma_wait3A_148 = arith.constant 1 : i32
    %dma_wait3A_149 = arith.constant 1 : i32
    %dma_wait3A_150 = arith.constant 0 : i32
    %dma_wait3A_151 = arith.constant 0 : i32
    %dma_wait3A_152 = tpu.memref_slice %arg6[%dma_wait3A_148, %dma_wait3A_150, %dma_wait3A_151] : memref<3x32x1024xf32, #tpu.memory_space<vmem>> -> memref<1x32x1024xf32, #tpu.memory_space<vmem>>
    %dma_wait3A_153 = tpu.memref_squeeze %dma_wait3A_152 : memref<1x32x1024xf32, #tpu.memory_space<vmem>> -> memref<32x1024xf32, #tpu.memory_space<vmem>>
    %dma_wait3A_154 = arith.constant 0 : i32
    %dma_wait3A_155 = tpu.memref_slice %arg5[%dma_wait3A_149, %dma_wait3A_154] : memref<8x32xi32, #tpu.memory_space<vmem>> -> memref<1x32xi32, #tpu.memory_space<vmem>>
    %dma_wait3A_156 = tpu.memref_squeeze %dma_wait3A_155 : memref<1x32xi32, #tpu.memory_space<vmem>> -> memref<32xi32, #tpu.memory_space<vmem>>
    %dma_wait3A_157 = arith.constant 0 : i32
    %dma_wait3A_158 = arith.constant 0 : i32
    %dma_wait3A_159 = tpu.memref_slice %arg4[%dma_wait3A_157, %dma_wait3A_158] : memref<10240x1024xf32, #tpu.memory_space<hbm>> -> memref<10240x1024xf32, #tpu.memory_space<hbm>>
    tpu.wait_indirect_dma semaphore(%arg11 : memref<!tpu.dma_semaphore, #tpu.memory_space<semaphore_mem>>) src(%dma_wait3A_153 : memref<32x1024xf32, #tpu.memory_space<vmem>>) dst(%dma_wait3A_159 : memref<10240x1024xf32, #tpu.memory_space<hbm>>)
    %add3A_160 = arith.constant 128 : i32
    %add3A_161 = arith.addi %mul3A_2, %add3A_160 : i32
    %dma_start3A_162 = arith.constant 1 : i32
    %dma_start3A_163 = arith.constant 0 : i32
    %dma_start3A_164 = arith.constant 0 : i32
    %dma_start3A_165 = tpu.memref_slice %arg6[%dma_start3A_162, %dma_start3A_163, %dma_start3A_164] : memref<3x32x1024xf32, #tpu.memory_space<vmem>> -> memref<1x32x1024xf32, #tpu.memory_space<vmem>>
    %dma_start3A_166 = tpu.memref_squeeze %dma_start3A_165 : memref<1x32x1024xf32, #tpu.memory_space<vmem>> -> memref<32x1024xf32, #tpu.memory_space<vmem>>
    %dma_start3A_167 = arith.constant 0 : i32
    %dma_start3A_168 = tpu.memref_slice %arg2[%add3A_161, %dma_start3A_167] : memref<8192x1024xf32, #tpu.memory_space<hbm>> -> memref<32x1024xf32, #tpu.memory_space<hbm>>
    %dma_start3A_169 = arith.constant 0 : i32
    %dma_start3A_170 = arith.constant 0 : i32
    %dma_start3A_171 = tpu.memref_slice %arg6[%dma_start3A_162, %dma_start3A_169, %dma_start3A_170] : memref<3x32x1024xf32, #tpu.memory_space<vmem>> -> memref<1x32x1024xf32, #tpu.memory_space<vmem>>
    %dma_start3A_172 = tpu.memref_squeeze %dma_start3A_171 : memref<1x32x1024xf32, #tpu.memory_space<vmem>> -> memref<32x1024xf32, #tpu.memory_space<vmem>>
    %dma_start3A_173 = arith.constant 0 : i32
    %dma_start3A_174 = tpu.memref_slice %arg2[%add3A_161, %dma_start3A_173] : memref<8192x1024xf32, #tpu.memory_space<hbm>> -> memref<32x1024xf32, #tpu.memory_space<hbm>>
    tpu.enqueue_dma source(%dma_start3A_174 : memref<32x1024xf32, #tpu.memory_space<hbm>>) target(%dma_start3A_172 : memref<32x1024xf32, #tpu.memory_space<vmem>>) target_semaphore(%arg8 : memref<!tpu.dma_semaphore, #tpu.memory_space<semaphore_mem>>)
    %dma_wait3A_175 = arith.constant 0 : i32
    %dma_wait3A_176 = arith.constant 0 : i32
    %dma_wait3A_177 = arith.constant 0 : i32
    %dma_wait3A_178 = tpu.memref_slice %arg6[%dma_wait3A_175, %dma_wait3A_176, %dma_wait3A_177] : memref<3x32x1024xf32, #tpu.memory_space<vmem>> -> memref<1x32x1024xf32, #tpu.memory_space<vmem>>
    %dma_wait3A_179 = tpu.memref_squeeze %dma_wait3A_178 : memref<1x32x1024xf32, #tpu.memory_space<vmem>> -> memref<32x1024xf32, #tpu.memory_space<vmem>>
    %dma_wait3A_180 = arith.constant 0 : i32
    %dma_wait3A_181 = tpu.memref_slice %arg2[%add3A_109, %dma_wait3A_180] : memref<8192x1024xf32, #tpu.memory_space<hbm>> -> memref<32x1024xf32, #tpu.memory_space<hbm>>
    %dma_wait3A_182 = arith.constant 0 : i32
    %dma_wait3A_183 = arith.constant 0 : i32
    %dma_wait3A_184 = tpu.memref_slice %arg6[%dma_wait3A_175, %dma_wait3A_182, %dma_wait3A_183] : memref<3x32x1024xf32, #tpu.memory_space<vmem>> -> memref<1x32x1024xf32, #tpu.memory_space<vmem>>
    %dma_wait3A_185 = tpu.memref_squeeze %dma_wait3A_184 : memref<1x32x1024xf32, #tpu.memory_space<vmem>> -> memref<32x1024xf32, #tpu.memory_space<vmem>>
    %dma_wait3A_186 = arith.constant 0 : i32
    %dma_wait3A_187 = tpu.memref_slice %arg2[%add3A_109, %dma_wait3A_186] : memref<8192x1024xf32, #tpu.memory_space<hbm>> -> memref<32x1024xf32, #tpu.memory_space<hbm>>
    tpu.wait_dma2 semaphore(%arg7 : memref<!tpu.dma_semaphore, #tpu.memory_space<semaphore_mem>>) src(%dma_wait3A_187 : memref<32x1024xf32, #tpu.memory_space<hbm>>) dst(%dma_wait3A_185 : memref<32x1024xf32, #tpu.memory_space<vmem>>)
    %dma_start3A_188 = arith.constant 0 : i32
    %dma_start3A_189 = arith.constant 3 : i32
    %dma_start3A_190 = arith.constant 0 : i32
    %dma_start3A_191 = arith.constant 0 : i32
    %dma_start3A_192 = tpu.memref_slice %arg6[%dma_start3A_188, %dma_start3A_190, %dma_start3A_191] : memref<3x32x1024xf32, #tpu.memory_space<vmem>> -> memref<1x32x1024xf32, #tpu.memory_space<vmem>>
    %dma_start3A_193 = tpu.memref_squeeze %dma_start3A_192 : memref<1x32x1024xf32, #tpu.memory_space<vmem>> -> memref<32x1024xf32, #tpu.memory_space<vmem>>
    %dma_start3A_194 = arith.constant 0 : i32
    %dma_start3A_195 = tpu.memref_slice %arg5[%dma_start3A_189, %dma_start3A_194] : memref<8x32xi32, #tpu.memory_space<vmem>> -> memref<1x32xi32, #tpu.memory_space<vmem>>
    %dma_start3A_196 = tpu.memref_squeeze %dma_start3A_195 : memref<1x32xi32, #tpu.memory_space<vmem>> -> memref<32xi32, #tpu.memory_space<vmem>>
    %dma_start3A_197 = arith.constant 0 : i32
    %dma_start3A_198 = arith.constant 0 : i32
    %dma_start3A_199 = tpu.memref_slice %arg4[%dma_start3A_197, %dma_start3A_198] : memref<10240x1024xf32, #tpu.memory_space<hbm>> -> memref<10240x1024xf32, #tpu.memory_space<hbm>>
    tpu.enqueue_indirect_dma source(%dma_start3A_193 : memref<32x1024xf32, #tpu.memory_space<vmem>>) target(%dma_start3A_199 : memref<10240x1024xf32, #tpu.memory_space<hbm>>) offsets(%dma_start3A_196 : memref<32xi32, #tpu.memory_space<vmem>>) semaphore(%arg10 : memref<!tpu.dma_semaphore, #tpu.memory_space<semaphore_mem>>)
    %dma_wait3A_200 = arith.constant 2 : i32
    %dma_wait3A_201 = arith.constant 2 : i32
    %dma_wait3A_202 = arith.constant 0 : i32
    %dma_wait3A_203 = arith.constant 0 : i32
    %dma_wait3A_204 = tpu.memref_slice %arg6[%dma_wait3A_200, %dma_wait3A_202, %dma_wait3A_203] : memref<3x32x1024xf32, #tpu.memory_space<vmem>> -> memref<1x32x1024xf32, #tpu.memory_space<vmem>>
    %dma_wait3A_205 = tpu.memref_squeeze %dma_wait3A_204 : memref<1x32x1024xf32, #tpu.memory_space<vmem>> -> memref<32x1024xf32, #tpu.memory_space<vmem>>
    %dma_wait3A_206 = arith.constant 0 : i32
    %dma_wait3A_207 = tpu.memref_slice %arg5[%dma_wait3A_201, %dma_wait3A_206] : memref<8x32xi32, #tpu.memory_space<vmem>> -> memref<1x32xi32, #tpu.memory_space<vmem>>
    %dma_wait3A_208 = tpu.memref_squeeze %dma_wait3A_207 : memref<1x32xi32, #tpu.memory_space<vmem>> -> memref<32xi32, #tpu.memory_space<vmem>>
    %dma_wait3A_209 = arith.constant 0 : i32
    %dma_wait3A_210 = arith.constant 0 : i32
    %dma_wait3A_211 = tpu.memref_slice %arg4[%dma_wait3A_209, %dma_wait3A_210] : memref<10240x1024xf32, #tpu.memory_space<hbm>> -> memref<10240x1024xf32, #tpu.memory_space<hbm>>
    tpu.wait_indirect_dma semaphore(%arg12 : memref<!tpu.dma_semaphore, #tpu.memory_space<semaphore_mem>>) src(%dma_wait3A_205 : memref<32x1024xf32, #tpu.memory_space<vmem>>) dst(%dma_wait3A_211 : memref<10240x1024xf32, #tpu.memory_space<hbm>>)
    %add3A_212 = arith.constant 160 : i32
    %add3A_213 = arith.addi %mul3A_2, %add3A_212 : i32
    %dma_start3A_214 = arith.constant 2 : i32
    %dma_start3A_215 = arith.constant 0 : i32
    %dma_start3A_216 = arith.constant 0 : i32
    %dma_start3A_217 = tpu.memref_slice %arg6[%dma_start3A_214, %dma_start3A_215, %dma_start3A_216] : memref<3x32x1024xf32, #tpu.memory_space<vmem>> -> memref<1x32x1024xf32, #tpu.memory_space<vmem>>
    %dma_start3A_218 = tpu.memref_squeeze %dma_start3A_217 : memref<1x32x1024xf32, #tpu.memory_space<vmem>> -> memref<32x1024xf32, #tpu.memory_space<vmem>>
    %dma_start3A_219 = arith.constant 0 : i32
    %dma_start3A_220 = tpu.memref_slice %arg2[%add3A_213, %dma_start3A_219] : memref<8192x1024xf32, #tpu.memory_space<hbm>> -> memref<32x1024xf32, #tpu.memory_space<hbm>>
    %dma_start3A_221 = arith.constant 0 : i32
    %dma_start3A_222 = arith.constant 0 : i32
    %dma_start3A_223 = tpu.memref_slice %arg6[%dma_start3A_214, %dma_start3A_221, %dma_start3A_222] : memref<3x32x1024xf32, #tpu.memory_space<vmem>> -> memref<1x32x1024xf32, #tpu.memory_space<vmem>>
    %dma_start3A_224 = tpu.memref_squeeze %dma_start3A_223 : memref<1x32x1024xf32, #tpu.memory_space<vmem>> -> memref<32x1024xf32, #tpu.memory_space<vmem>>
    %dma_start3A_225 = arith.constant 0 : i32
    %dma_start3A_226 = tpu.memref_slice %arg2[%add3A_213, %dma_start3A_225] : memref<8192x1024xf32, #tpu.memory_space<hbm>> -> memref<32x1024xf32, #tpu.memory_space<hbm>>
    tpu.enqueue_dma source(%dma_start3A_226 : memref<32x1024xf32, #tpu.memory_space<hbm>>) target(%dma_start3A_224 : memref<32x1024xf32, #tpu.memory_space<vmem>>) target_semaphore(%arg9 : memref<!tpu.dma_semaphore, #tpu.memory_space<semaphore_mem>>)
    %dma_wait3A_227 = arith.constant 1 : i32
    %dma_wait3A_228 = arith.constant 0 : i32
    %dma_wait3A_229 = arith.constant 0 : i32
    %dma_wait3A_230 = tpu.memref_slice %arg6[%dma_wait3A_227, %dma_wait3A_228, %dma_wait3A_229] : memref<3x32x1024xf32, #tpu.memory_space<vmem>> -> memref<1x32x1024xf32, #tpu.memory_space<vmem>>
    %dma_wait3A_231 = tpu.memref_squeeze %dma_wait3A_230 : memref<1x32x1024xf32, #tpu.memory_space<vmem>> -> memref<32x1024xf32, #tpu.memory_space<vmem>>
    %dma_wait3A_232 = arith.constant 0 : i32
    %dma_wait3A_233 = tpu.memref_slice %arg2[%add3A_161, %dma_wait3A_232] : memref<8192x1024xf32, #tpu.memory_space<hbm>> -> memref<32x1024xf32, #tpu.memory_space<hbm>>
    %dma_wait3A_234 = arith.constant 0 : i32
    %dma_wait3A_235 = arith.constant 0 : i32
    %dma_wait3A_236 = tpu.memref_slice %arg6[%dma_wait3A_227, %dma_wait3A_234, %dma_wait3A_235] : memref<3x32x1024xf32, #tpu.memory_space<vmem>> -> memref<1x32x1024xf32, #tpu.memory_space<vmem>>
    %dma_wait3A_237 = tpu.memref_squeeze %dma_wait3A_236 : memref<1x32x1024xf32, #tpu.memory_space<vmem>> -> memref<32x1024xf32, #tpu.memory_space<vmem>>
    %dma_wait3A_238 = arith.constant 0 : i32
    %dma_wait3A_239 = tpu.memref_slice %arg2[%add3A_161, %dma_wait3A_238] : memref<8192x1024xf32, #tpu.memory_space<hbm>> -> memref<32x1024xf32, #tpu.memory_space<hbm>>
    tpu.wait_dma2 semaphore(%arg8 : memref<!tpu.dma_semaphore, #tpu.memory_space<semaphore_mem>>) src(%dma_wait3A_239 : memref<32x1024xf32, #tpu.memory_space<hbm>>) dst(%dma_wait3A_237 : memref<32x1024xf32, #tpu.memory_space<vmem>>)
    %dma_start3A_240 = arith.constant 1 : i32
    %dma_start3A_241 = arith.constant 4 : i32
    %dma_start3A_242 = arith.constant 0 : i32
    %dma_start3A_243 = arith.constant 0 : i32
    %dma_start3A_244 = tpu.memref_slice %arg6[%dma_start3A_240, %dma_start3A_242, %dma_start3A_243] : memref<3x32x1024xf32, #tpu.memory_space<vmem>> -> memref<1x32x1024xf32, #tpu.memory_space<vmem>>
    %dma_start3A_245 = tpu.memref_squeeze %dma_start3A_244 : memref<1x32x1024xf32, #tpu.memory_space<vmem>> -> memref<32x1024xf32, #tpu.memory_space<vmem>>
    %dma_start3A_246 = arith.constant 0 : i32
    %dma_start3A_247 = tpu.memref_slice %arg5[%dma_start3A_241, %dma_start3A_246] : memref<8x32xi32, #tpu.memory_space<vmem>> -> memref<1x32xi32, #tpu.memory_space<vmem>>
    %dma_start3A_248 = tpu.memref_squeeze %dma_start3A_247 : memref<1x32xi32, #tpu.memory_space<vmem>> -> memref<32xi32, #tpu.memory_space<vmem>>
    %dma_start3A_249 = arith.constant 0 : i32
    %dma_start3A_250 = arith.constant 0 : i32
    %dma_start3A_251 = tpu.memref_slice %arg4[%dma_start3A_249, %dma_start3A_250] : memref<10240x1024xf32, #tpu.memory_space<hbm>> -> memref<10240x1024xf32, #tpu.memory_space<hbm>>
    tpu.enqueue_indirect_dma source(%dma_start3A_245 : memref<32x1024xf32, #tpu.memory_space<vmem>>) target(%dma_start3A_251 : memref<10240x1024xf32, #tpu.memory_space<hbm>>) offsets(%dma_start3A_248 : memref<32xi32, #tpu.memory_space<vmem>>) semaphore(%arg11 : memref<!tpu.dma_semaphore, #tpu.memory_space<semaphore_mem>>)
    %dma_wait3A_252 = arith.constant 0 : i32
    %dma_wait3A_253 = arith.constant 3 : i32
    %dma_wait3A_254 = arith.constant 0 : i32
    %dma_wait3A_255 = arith.constant 0 : i32
    %dma_wait3A_256 = tpu.memref_slice %arg6[%dma_wait3A_252, %dma_wait3A_254, %dma_wait3A_255] : memref<3x32x1024xf32, #tpu.memory_space<vmem>> -> memref<1x32x1024xf32, #tpu.memory_space<vmem>>
    %dma_wait3A_257 = tpu.memref_squeeze %dma_wait3A_256 : memref<1x32x1024xf32, #tpu.memory_space<vmem>> -> memref<32x1024xf32, #tpu.memory_space<vmem>>
    %dma_wait3A_258 = arith.constant 0 : i32
    %dma_wait3A_259 = tpu.memref_slice %arg5[%dma_wait3A_253, %dma_wait3A_258] : memref<8x32xi32, #tpu.memory_space<vmem>> -> memref<1x32xi32, #tpu.memory_space<vmem>>
    %dma_wait3A_260 = tpu.memref_squeeze %dma_wait3A_259 : memref<1x32xi32, #tpu.memory_space<vmem>> -> memref<32xi32, #tpu.memory_space<vmem>>
    %dma_wait3A_261 = arith.constant 0 : i32
    %dma_wait3A_262 = arith.constant 0 : i32
    %dma_wait3A_263 = tpu.memref_slice %arg4[%dma_wait3A_261, %dma_wait3A_262] : memref<10240x1024xf32, #tpu.memory_space<hbm>> -> memref<10240x1024xf32, #tpu.memory_space<hbm>>
    tpu.wait_indirect_dma semaphore(%arg10 : memref<!tpu.dma_semaphore, #tpu.memory_space<semaphore_mem>>) src(%dma_wait3A_257 : memref<32x1024xf32, #tpu.memory_space<vmem>>) dst(%dma_wait3A_263 : memref<10240x1024xf32, #tpu.memory_space<hbm>>)
    %add3A_264 = arith.constant 192 : i32
    %add3A_265 = arith.addi %mul3A_2, %add3A_264 : i32
    %dma_start3A_266 = arith.constant 0 : i32
    %dma_start3A_267 = arith.constant 0 : i32
    %dma_start3A_268 = arith.constant 0 : i32
    %dma_start3A_269 = tpu.memref_slice %arg6[%dma_start3A_266, %dma_start3A_267, %dma_start3A_268] : memref<3x32x1024xf32, #tpu.memory_space<vmem>> -> memref<1x32x1024xf32, #tpu.memory_space<vmem>>
    %dma_start3A_270 = tpu.memref_squeeze %dma_start3A_269 : memref<1x32x1024xf32, #tpu.memory_space<vmem>> -> memref<32x1024xf32, #tpu.memory_space<vmem>>
    %dma_start3A_271 = arith.constant 0 : i32
    %dma_start3A_272 = tpu.memref_slice %arg2[%add3A_265, %dma_start3A_271] : memref<8192x1024xf32, #tpu.memory_space<hbm>> -> memref<32x1024xf32, #tpu.memory_space<hbm>>
    %dma_start3A_273 = arith.constant 0 : i32
    %dma_start3A_274 = arith.constant 0 : i32
    %dma_start3A_275 = tpu.memref_slice %arg6[%dma_start3A_266, %dma_start3A_273, %dma_start3A_274] : memref<3x32x1024xf32, #tpu.memory_space<vmem>> -> memref<1x32x1024xf32, #tpu.memory_space<vmem>>
    %dma_start3A_276 = tpu.memref_squeeze %dma_start3A_275 : memref<1x32x1024xf32, #tpu.memory_space<vmem>> -> memref<32x1024xf32, #tpu.memory_space<vmem>>
    %dma_start3A_277 = arith.constant 0 : i32
    %dma_start3A_278 = tpu.memref_slice %arg2[%add3A_265, %dma_start3A_277] : memref<8192x1024xf32, #tpu.memory_space<hbm>> -> memref<32x1024xf32, #tpu.memory_space<hbm>>
    tpu.enqueue_dma source(%dma_start3A_278 : memref<32x1024xf32, #tpu.memory_space<hbm>>) target(%dma_start3A_276 : memref<32x1024xf32, #tpu.memory_space<vmem>>) target_semaphore(%arg7 : memref<!tpu.dma_semaphore, #tpu.memory_space<semaphore_mem>>)
    %dma_wait3A_279 = arith.constant 2 : i32
    %dma_wait3A_280 = arith.constant 0 : i32
    %dma_wait3A_281 = arith.constant 0 : i32
    %dma_wait3A_282 = tpu.memref_slice %arg6[%dma_wait3A_279, %dma_wait3A_280, %dma_wait3A_281] : memref<3x32x1024xf32, #tpu.memory_space<vmem>> -> memref<1x32x1024xf32, #tpu.memory_space<vmem>>
    %dma_wait3A_283 = tpu.memref_squeeze %dma_wait3A_282 : memref<1x32x1024xf32, #tpu.memory_space<vmem>> -> memref<32x1024xf32, #tpu.memory_space<vmem>>
    %dma_wait3A_284 = arith.constant 0 : i32
    %dma_wait3A_285 = tpu.memref_slice %arg2[%add3A_213, %dma_wait3A_284] : memref<8192x1024xf32, #tpu.memory_space<hbm>> -> memref<32x1024xf32, #tpu.memory_space<hbm>>
    %dma_wait3A_286 = arith.constant 0 : i32
    %dma_wait3A_287 = arith.constant 0 : i32
    %dma_wait3A_288 = tpu.memref_slice %arg6[%dma_wait3A_279, %dma_wait3A_286, %dma_wait3A_287] : memref<3x32x1024xf32, #tpu.memory_space<vmem>> -> memref<1x32x1024xf32, #tpu.memory_space<vmem>>
    %dma_wait3A_289 = tpu.memref_squeeze %dma_wait3A_288 : memref<1x32x1024xf32, #tpu.memory_space<vmem>> -> memref<32x1024xf32, #tpu.memory_space<vmem>>
    %dma_wait3A_290 = arith.constant 0 : i32
    %dma_wait3A_291 = tpu.memref_slice %arg2[%add3A_213, %dma_wait3A_290] : memref<8192x1024xf32, #tpu.memory_space<hbm>> -> memref<32x1024xf32, #tpu.memory_space<hbm>>
    tpu.wait_dma2 semaphore(%arg9 : memref<!tpu.dma_semaphore, #tpu.memory_space<semaphore_mem>>) src(%dma_wait3A_291 : memref<32x1024xf32, #tpu.memory_space<hbm>>) dst(%dma_wait3A_289 : memref<32x1024xf32, #tpu.memory_space<vmem>>)
    %dma_start3A_292 = arith.constant 2 : i32
    %dma_start3A_293 = arith.constant 5 : i32
    %dma_start3A_294 = arith.constant 0 : i32
    %dma_start3A_295 = arith.constant 0 : i32
    %dma_start3A_296 = tpu.memref_slice %arg6[%dma_start3A_292, %dma_start3A_294, %dma_start3A_295] : memref<3x32x1024xf32, #tpu.memory_space<vmem>> -> memref<1x32x1024xf32, #tpu.memory_space<vmem>>
    %dma_start3A_297 = tpu.memref_squeeze %dma_start3A_296 : memref<1x32x1024xf32, #tpu.memory_space<vmem>> -> memref<32x1024xf32, #tpu.memory_space<vmem>>
    %dma_start3A_298 = arith.constant 0 : i32
    %dma_start3A_299 = tpu.memref_slice %arg5[%dma_start3A_293, %dma_start3A_298] : memref<8x32xi32, #tpu.memory_space<vmem>> -> memref<1x32xi32, #tpu.memory_space<vmem>>
    %dma_start3A_300 = tpu.memref_squeeze %dma_start3A_299 : memref<1x32xi32, #tpu.memory_space<vmem>> -> memref<32xi32, #tpu.memory_space<vmem>>
    %dma_start3A_301 = arith.constant 0 : i32
    %dma_start3A_302 = arith.constant 0 : i32
    %dma_start3A_303 = tpu.memref_slice %arg4[%dma_start3A_301, %dma_start3A_302] : memref<10240x1024xf32, #tpu.memory_space<hbm>> -> memref<10240x1024xf32, #tpu.memory_space<hbm>>
    tpu.enqueue_indirect_dma source(%dma_start3A_297 : memref<32x1024xf32, #tpu.memory_space<vmem>>) target(%dma_start3A_303 : memref<10240x1024xf32, #tpu.memory_space<hbm>>) offsets(%dma_start3A_300 : memref<32xi32, #tpu.memory_space<vmem>>) semaphore(%arg12 : memref<!tpu.dma_semaphore, #tpu.memory_space<semaphore_mem>>)
    %dma_wait3A_304 = arith.constant 1 : i32
    %dma_wait3A_305 = arith.constant 4 : i32
    %dma_wait3A_306 = arith.constant 0 : i32
    %dma_wait3A_307 = arith.constant 0 : i32
    %dma_wait3A_308 = tpu.memref_slice %arg6[%dma_wait3A_304, %dma_wait3A_306, %dma_wait3A_307] : memref<3x32x1024xf32, #tpu.memory_space<vmem>> -> memref<1x32x1024xf32, #tpu.memory_space<vmem>>
    %dma_wait3A_309 = tpu.memref_squeeze %dma_wait3A_308 : memref<1x32x1024xf32, #tpu.memory_space<vmem>> -> memref<32x1024xf32, #tpu.memory_space<vmem>>
    %dma_wait3A_310 = arith.constant 0 : i32
    %dma_wait3A_311 = tpu.memref_slice %arg5[%dma_wait3A_305, %dma_wait3A_310] : memref<8x32xi32, #tpu.memory_space<vmem>> -> memref<1x32xi32, #tpu.memory_space<vmem>>
    %dma_wait3A_312 = tpu.memref_squeeze %dma_wait3A_311 : memref<1x32xi32, #tpu.memory_space<vmem>> -> memref<32xi32, #tpu.memory_space<vmem>>
    %dma_wait3A_313 = arith.constant 0 : i32
    %dma_wait3A_314 = arith.constant 0 : i32
    %dma_wait3A_315 = tpu.memref_slice %arg4[%dma_wait3A_313, %dma_wait3A_314] : memref<10240x1024xf32, #tpu.memory_space<hbm>> -> memref<10240x1024xf32, #tpu.memory_space<hbm>>
    tpu.wait_indirect_dma semaphore(%arg11 : memref<!tpu.dma_semaphore, #tpu.memory_space<semaphore_mem>>) src(%dma_wait3A_309 : memref<32x1024xf32, #tpu.memory_space<vmem>>) dst(%dma_wait3A_315 : memref<10240x1024xf32, #tpu.memory_space<hbm>>)
    %add3A_316 = arith.constant 224 : i32
    %add3A_317 = arith.addi %mul3A_2, %add3A_316 : i32
    %dma_start3A_318 = arith.constant 1 : i32
    %dma_start3A_319 = arith.constant 0 : i32
    %dma_start3A_320 = arith.constant 0 : i32
    %dma_start3A_321 = tpu.memref_slice %arg6[%dma_start3A_318, %dma_start3A_319, %dma_start3A_320] : memref<3x32x1024xf32, #tpu.memory_space<vmem>> -> memref<1x32x1024xf32, #tpu.memory_space<vmem>>
    %dma_start3A_322 = tpu.memref_squeeze %dma_start3A_321 : memref<1x32x1024xf32, #tpu.memory_space<vmem>> -> memref<32x1024xf32, #tpu.memory_space<vmem>>
    %dma_start3A_323 = arith.constant 0 : i32
    %dma_start3A_324 = tpu.memref_slice %arg2[%add3A_317, %dma_start3A_323] : memref<8192x1024xf32, #tpu.memory_space<hbm>> -> memref<32x1024xf32, #tpu.memory_space<hbm>>
    %dma_start3A_325 = arith.constant 0 : i32
    %dma_start3A_326 = arith.constant 0 : i32
    %dma_start3A_327 = tpu.memref_slice %arg6[%dma_start3A_318, %dma_start3A_325, %dma_start3A_326] : memref<3x32x1024xf32, #tpu.memory_space<vmem>> -> memref<1x32x1024xf32, #tpu.memory_space<vmem>>
    %dma_start3A_328 = tpu.memref_squeeze %dma_start3A_327 : memref<1x32x1024xf32, #tpu.memory_space<vmem>> -> memref<32x1024xf32, #tpu.memory_space<vmem>>
    %dma_start3A_329 = arith.constant 0 : i32
    %dma_start3A_330 = tpu.memref_slice %arg2[%add3A_317, %dma_start3A_329] : memref<8192x1024xf32, #tpu.memory_space<hbm>> -> memref<32x1024xf32, #tpu.memory_space<hbm>>
    tpu.enqueue_dma source(%dma_start3A_330 : memref<32x1024xf32, #tpu.memory_space<hbm>>) target(%dma_start3A_328 : memref<32x1024xf32, #tpu.memory_space<vmem>>) target_semaphore(%arg8 : memref<!tpu.dma_semaphore, #tpu.memory_space<semaphore_mem>>)
    %dma_wait3A_331 = arith.constant 0 : i32
    %dma_wait3A_332 = arith.constant 0 : i32
    %dma_wait3A_333 = arith.constant 0 : i32
    %dma_wait3A_334 = tpu.memref_slice %arg6[%dma_wait3A_331, %dma_wait3A_332, %dma_wait3A_333] : memref<3x32x1024xf32, #tpu.memory_space<vmem>> -> memref<1x32x1024xf32, #tpu.memory_space<vmem>>
    %dma_wait3A_335 = tpu.memref_squeeze %dma_wait3A_334 : memref<1x32x1024xf32, #tpu.memory_space<vmem>> -> memref<32x1024xf32, #tpu.memory_space<vmem>>
    %dma_wait3A_336 = arith.constant 0 : i32
    %dma_wait3A_337 = tpu.memref_slice %arg2[%add3A_265, %dma_wait3A_336] : memref<8192x1024xf32, #tpu.memory_space<hbm>> -> memref<32x1024xf32, #tpu.memory_space<hbm>>
    %dma_wait3A_338 = arith.constant 0 : i32
    %dma_wait3A_339 = arith.constant 0 : i32
    %dma_wait3A_340 = tpu.memref_slice %arg6[%dma_wait3A_331, %dma_wait3A_338, %dma_wait3A_339] : memref<3x32x1024xf32, #tpu.memory_space<vmem>> -> memref<1x32x1024xf32, #tpu.memory_space<vmem>>
    %dma_wait3A_341 = tpu.memref_squeeze %dma_wait3A_340 : memref<1x32x1024xf32, #tpu.memory_space<vmem>> -> memref<32x1024xf32, #tpu.memory_space<vmem>>
    %dma_wait3A_342 = arith.constant 0 : i32
    %dma_wait3A_343 = tpu.memref_slice %arg2[%add3A_265, %dma_wait3A_342] : memref<8192x1024xf32, #tpu.memory_space<hbm>> -> memref<32x1024xf32, #tpu.memory_space<hbm>>
    tpu.wait_dma2 semaphore(%arg7 : memref<!tpu.dma_semaphore, #tpu.memory_space<semaphore_mem>>) src(%dma_wait3A_343 : memref<32x1024xf32, #tpu.memory_space<hbm>>) dst(%dma_wait3A_341 : memref<32x1024xf32, #tpu.memory_space<vmem>>)
    %dma_start3A_344 = arith.constant 0 : i32
    %dma_start3A_345 = arith.constant 6 : i32
    %dma_start3A_346 = arith.constant 0 : i32
    %dma_start3A_347 = arith.constant 0 : i32
    %dma_start3A_348 = tpu.memref_slice %arg6[%dma_start3A_344, %dma_start3A_346, %dma_start3A_347] : memref<3x32x1024xf32, #tpu.memory_space<vmem>> -> memref<1x32x1024xf32, #tpu.memory_space<vmem>>
    %dma_start3A_349 = tpu.memref_squeeze %dma_start3A_348 : memref<1x32x1024xf32, #tpu.memory_space<vmem>> -> memref<32x1024xf32, #tpu.memory_space<vmem>>
    %dma_start3A_350 = arith.constant 0 : i32
    %dma_start3A_351 = tpu.memref_slice %arg5[%dma_start3A_345, %dma_start3A_350] : memref<8x32xi32, #tpu.memory_space<vmem>> -> memref<1x32xi32, #tpu.memory_space<vmem>>
    %dma_start3A_352 = tpu.memref_squeeze %dma_start3A_351 : memref<1x32xi32, #tpu.memory_space<vmem>> -> memref<32xi32, #tpu.memory_space<vmem>>
    %dma_start3A_353 = arith.constant 0 : i32
    %dma_start3A_354 = arith.constant 0 : i32
    %dma_start3A_355 = tpu.memref_slice %arg4[%dma_start3A_353, %dma_start3A_354] : memref<10240x1024xf32, #tpu.memory_space<hbm>> -> memref<10240x1024xf32, #tpu.memory_space<hbm>>
    tpu.enqueue_indirect_dma source(%dma_start3A_349 : memref<32x1024xf32, #tpu.memory_space<vmem>>) target(%dma_start3A_355 : memref<10240x1024xf32, #tpu.memory_space<hbm>>) offsets(%dma_start3A_352 : memref<32xi32, #tpu.memory_space<vmem>>) semaphore(%arg10 : memref<!tpu.dma_semaphore, #tpu.memory_space<semaphore_mem>>)
    %dma_wait3A_356 = arith.constant 1 : i32
    %dma_wait3A_357 = arith.constant 0 : i32
    %dma_wait3A_358 = arith.constant 0 : i32
    %dma_wait3A_359 = tpu.memref_slice %arg6[%dma_wait3A_356, %dma_wait3A_357, %dma_wait3A_358] : memref<3x32x1024xf32, #tpu.memory_space<vmem>> -> memref<1x32x1024xf32, #tpu.memory_space<vmem>>
    %dma_wait3A_360 = tpu.memref_squeeze %dma_wait3A_359 : memref<1x32x1024xf32, #tpu.memory_space<vmem>> -> memref<32x1024xf32, #tpu.memory_space<vmem>>
    %dma_wait3A_361 = arith.constant 0 : i32
    %dma_wait3A_362 = tpu.memref_slice %arg2[%add3A_317, %dma_wait3A_361] : memref<8192x1024xf32, #tpu.memory_space<hbm>> -> memref<32x1024xf32, #tpu.memory_space<hbm>>
    %dma_wait3A_363 = arith.constant 0 : i32
    %dma_wait3A_364 = arith.constant 0 : i32
    %dma_wait3A_365 = tpu.memref_slice %arg6[%dma_wait3A_356, %dma_wait3A_363, %dma_wait3A_364] : memref<3x32x1024xf32, #tpu.memory_space<vmem>> -> memref<1x32x1024xf32, #tpu.memory_space<vmem>>
    %dma_wait3A_366 = tpu.memref_squeeze %dma_wait3A_365 : memref<1x32x1024xf32, #tpu.memory_space<vmem>> -> memref<32x1024xf32, #tpu.memory_space<vmem>>
    %dma_wait3A_367 = arith.constant 0 : i32
    %dma_wait3A_368 = tpu.memref_slice %arg2[%add3A_317, %dma_wait3A_367] : memref<8192x1024xf32, #tpu.memory_space<hbm>> -> memref<32x1024xf32, #tpu.memory_space<hbm>>
    tpu.wait_dma2 semaphore(%arg8 : memref<!tpu.dma_semaphore, #tpu.memory_space<semaphore_mem>>) src(%dma_wait3A_368 : memref<32x1024xf32, #tpu.memory_space<hbm>>) dst(%dma_wait3A_366 : memref<32x1024xf32, #tpu.memory_space<vmem>>)
    %dma_start3A_369 = arith.constant 1 : i32
    %dma_start3A_370 = arith.constant 7 : i32
    %dma_start3A_371 = arith.constant 0 : i32
    %dma_start3A_372 = arith.constant 0 : i32
    %dma_start3A_373 = tpu.memref_slice %arg6[%dma_start3A_369, %dma_start3A_371, %dma_start3A_372] : memref<3x32x1024xf32, #tpu.memory_space<vmem>> -> memref<1x32x1024xf32, #tpu.memory_space<vmem>>
    %dma_start3A_374 = tpu.memref_squeeze %dma_start3A_373 : memref<1x32x1024xf32, #tpu.memory_space<vmem>> -> memref<32x1024xf32, #tpu.memory_space<vmem>>
    %dma_start3A_375 = arith.constant 0 : i32
    %dma_start3A_376 = tpu.memref_slice %arg5[%dma_start3A_370, %dma_start3A_375] : memref<8x32xi32, #tpu.memory_space<vmem>> -> memref<1x32xi32, #tpu.memory_space<vmem>>
    %dma_start3A_377 = tpu.memref_squeeze %dma_start3A_376 : memref<1x32xi32, #tpu.memory_space<vmem>> -> memref<32xi32, #tpu.memory_space<vmem>>
    %dma_start3A_378 = arith.constant 0 : i32
    %dma_start3A_379 = arith.constant 0 : i32
    %dma_start3A_380 = tpu.memref_slice %arg4[%dma_start3A_378, %dma_start3A_379] : memref<10240x1024xf32, #tpu.memory_space<hbm>> -> memref<10240x1024xf32, #tpu.memory_space<hbm>>
    tpu.enqueue_indirect_dma source(%dma_start3A_374 : memref<32x1024xf32, #tpu.memory_space<vmem>>) target(%dma_start3A_380 : memref<10240x1024xf32, #tpu.memory_space<hbm>>) offsets(%dma_start3A_377 : memref<32xi32, #tpu.memory_space<vmem>>) semaphore(%arg11 : memref<!tpu.dma_semaphore, #tpu.memory_space<semaphore_mem>>)
    %dma_wait3A_381 = arith.constant 2 : i32
    %dma_wait3A_382 = arith.constant 5 : i32
    %dma_wait3A_383 = arith.constant 0 : i32
    %dma_wait3A_384 = arith.constant 0 : i32
    %dma_wait3A_385 = tpu.memref_slice %arg6[%dma_wait3A_381, %dma_wait3A_383, %dma_wait3A_384] : memref<3x32x1024xf32, #tpu.memory_space<vmem>> -> memref<1x32x1024xf32, #tpu.memory_space<vmem>>
    %dma_wait3A_386 = tpu.memref_squeeze %dma_wait3A_385 : memref<1x32x1024xf32, #tpu.memory_space<vmem>> -> memref<32x1024xf32, #tpu.memory_space<vmem>>
    %dma_wait3A_387 = arith.constant 0 : i32
    %dma_wait3A_388 = tpu.memref_slice %arg5[%dma_wait3A_382, %dma_wait3A_387] : memref<8x32xi32, #tpu.memory_space<vmem>> -> memref<1x32xi32, #tpu.memory_space<vmem>>
    %dma_wait3A_389 = tpu.memref_squeeze %dma_wait3A_388 : memref<1x32xi32, #tpu.memory_space<vmem>> -> memref<32xi32, #tpu.memory_space<vmem>>
    %dma_wait3A_390 = arith.constant 0 : i32
    %dma_wait3A_391 = arith.constant 0 : i32
    %dma_wait3A_392 = tpu.memref_slice %arg4[%dma_wait3A_390, %dma_wait3A_391] : memref<10240x1024xf32, #tpu.memory_space<hbm>> -> memref<10240x1024xf32, #tpu.memory_space<hbm>>
    tpu.wait_indirect_dma semaphore(%arg12 : memref<!tpu.dma_semaphore, #tpu.memory_space<semaphore_mem>>) src(%dma_wait3A_386 : memref<32x1024xf32, #tpu.memory_space<vmem>>) dst(%dma_wait3A_392 : memref<10240x1024xf32, #tpu.memory_space<hbm>>)
    %dma_wait3A_393 = arith.constant 0 : i32
    %dma_wait3A_394 = arith.constant 6 : i32
    %dma_wait3A_395 = arith.constant 0 : i32
    %dma_wait3A_396 = arith.constant 0 : i32
    %dma_wait3A_397 = tpu.memref_slice %arg6[%dma_wait3A_393, %dma_wait3A_395, %dma_wait3A_396] : memref<3x32x1024xf32, #tpu.memory_space<vmem>> -> memref<1x32x1024xf32, #tpu.memory_space<vmem>>
    %dma_wait3A_398 = tpu.memref_squeeze %dma_wait3A_397 : memref<1x32x1024xf32, #tpu.memory_space<vmem>> -> memref<32x1024xf32, #tpu.memory_space<vmem>>
    %dma_wait3A_399 = arith.constant 0 : i32
    %dma_wait3A_400 = tpu.memref_slice %arg5[%dma_wait3A_394, %dma_wait3A_399] : memref<8x32xi32, #tpu.memory_space<vmem>> -> memref<1x32xi32, #tpu.memory_space<vmem>>
    %dma_wait3A_401 = tpu.memref_squeeze %dma_wait3A_400 : memref<1x32xi32, #tpu.memory_space<vmem>> -> memref<32xi32, #tpu.memory_space<vmem>>
    %dma_wait3A_402 = arith.constant 0 : i32
    %dma_wait3A_403 = arith.constant 0 : i32
    %dma_wait3A_404 = tpu.memref_slice %arg4[%dma_wait3A_402, %dma_wait3A_403] : memref<10240x1024xf32, #tpu.memory_space<hbm>> -> memref<10240x1024xf32, #tpu.memory_space<hbm>>
    tpu.wait_indirect_dma semaphore(%arg10 : memref<!tpu.dma_semaphore, #tpu.memory_space<semaphore_mem>>) src(%dma_wait3A_398 : memref<32x1024xf32, #tpu.memory_space<vmem>>) dst(%dma_wait3A_404 : memref<10240x1024xf32, #tpu.memory_space<hbm>>)
    %dma_wait3A_405 = arith.constant 1 : i32
    %dma_wait3A_406 = arith.constant 7 : i32
    %dma_wait3A_407 = arith.constant 0 : i32
    %dma_wait3A_408 = arith.constant 0 : i32
    %dma_wait3A_409 = tpu.memref_slice %arg6[%dma_wait3A_405, %dma_wait3A_407, %dma_wait3A_408] : memref<3x32x1024xf32, #tpu.memory_space<vmem>> -> memref<1x32x1024xf32, #tpu.memory_space<vmem>>
    %dma_wait3A_410 = tpu.memref_squeeze %dma_wait3A_409 : memref<1x32x1024xf32, #tpu.memory_space<vmem>> -> memref<32x1024xf32, #tpu.memory_space<vmem>>
    %dma_wait3A_411 = arith.constant 0 : i32
    %dma_wait3A_412 = tpu.memref_slice %arg5[%dma_wait3A_406, %dma_wait3A_411] : memref<8x32xi32, #tpu.memory_space<vmem>> -> memref<1x32xi32, #tpu.memory_space<vmem>>
    %dma_wait3A_413 = tpu.memref_squeeze %dma_wait3A_412 : memref<1x32xi32, #tpu.memory_space<vmem>> -> memref<32xi32, #tpu.memory_space<vmem>>
    %dma_wait3A_414 = arith.constant 0 : i32
    %dma_wait3A_415 = arith.constant 0 : i32
    %dma_wait3A_416 = tpu.memref_slice %arg4[%dma_wait3A_414, %dma_wait3A_415] : memref<10240x1024xf32, #tpu.memory_space<hbm>> -> memref<10240x1024xf32, #tpu.memory_space<hbm>>
    tpu.wait_indirect_dma semaphore(%arg11 : memref<!tpu.dma_semaphore, #tpu.memory_space<semaphore_mem>>) src(%dma_wait3A_410 : memref<32x1024xf32, #tpu.memory_space<vmem>>) dst(%dma_wait3A_416 : memref<10240x1024xf32, #tpu.memory_space<hbm>>)
    return
  }
}

module attributes {stable_mosaic.version = 14 : i64} {
  func.func @_mlp_body(%arg0: i32, %arg1: memref<40xi32, #tpu.memory_space<smem>>, %arg2: memref<8xi32, #tpu.memory_space<smem>>, %arg3: memref<8xi32, #tpu.memory_space<smem>>, %arg4: memref<8xf32, #tpu.memory_space<smem>>, %arg5: memref<256x512xf32, #tpu.memory_space<vmem>>, %arg6: memref<256x512xf32, #tpu.memory_space<vmem>>, %arg7: memref<8x1024x512xf32, #tpu.memory_space<vmem>>, %arg8: memref<8x1x512xf32, #tpu.memory_space<vmem>>, %arg9: memref<8x512x256xf32, #tpu.memory_space<vmem>>, %arg10: memref<8x1x256xf32, #tpu.memory_space<vmem>>, %arg11: memref<8x1x256xf32, #tpu.memory_space<vmem>>, %arg12: memref<1x1xf32, #tpu.memory_space<smem>>) attributes {dimension_semantics = [#tpu.dimension_semantics<arbitrary>], iteration_bounds = array<i64: 40>, scalar_prefetch = 4 : i64, scratch_operands = 0 : i64, tpu.core_type = #tpu.core_type<tc>, window_params = [{transform_indices = @transform_0, window_bounds = array<i64: 256, 512>}, {transform_indices = @transform_1, window_bounds = array<i64: 256, 512>}, {pipeline_mode = #tpu.pipeline_mode<synchronous>, transform_indices = @transform_2, window_bounds = array<i64: 8, 1024, 512>}, {pipeline_mode = #tpu.pipeline_mode<synchronous>, transform_indices = @transform_3, window_bounds = array<i64: 8, 1, 512>}, {pipeline_mode = #tpu.pipeline_mode<synchronous>, transform_indices = @transform_4, window_bounds = array<i64: 8, 512, 256>}, {pipeline_mode = #tpu.pipeline_mode<synchronous>, transform_indices = @transform_5, window_bounds = array<i64: 8, 1, 256>}, {pipeline_mode = #tpu.pipeline_mode<synchronous>, transform_indices = @transform_6, window_bounds = array<i64: 8, 1, 256>}, {transform_indices = @transform_7, window_bounds = array<i64: 1, 1>}]} {
    %get3A = arith.index_cast %arg0 : i32 to index
    %get3A_0 = memref.load %arg1[%get3A] : memref<40xi32, #tpu.memory_space<smem>>
    %iota3A = tpu.iota {dimensions = array<i32: 0>} : vector<256x1xi32>
    %get3A_1 = arith.index_cast %get3A_0 : i32 to index
    %get3A_2 = memref.load %arg2[%get3A_1] : memref<8xi32, #tpu.memory_space<smem>>
    %sub3A = arith.subi %arg0, %get3A_2 : i32
    %mul3A = arith.constant 256 : i32
    %mul3A_3 = arith.muli %sub3A, %mul3A : i32
    %add3A = vector.broadcast %mul3A_3 : i32 to vector<256x1xi32>
    %add3A_4 = arith.addi %iota3A, %add3A : vector<256x1xi32>
    %get3A_5 = arith.index_cast %get3A_0 : i32 to index
    %get3A_6 = memref.load %arg3[%get3A_5] : memref<8xi32, #tpu.memory_space<smem>>
    %lt3A = vector.broadcast %get3A_6 : i32 to vector<256x1xi32>
    %lt3A_7 = arith.cmpi slt, %add3A_4, %lt3A : vector<256x1xi32>
    %get3A_8 = arith.constant 0 : index
    %get3A_9 = arith.constant 0 : index
    %get3A_10 = vector.load %arg5[%get3A_8, %get3A_9] : memref<256x512xf32, #tpu.memory_space<vmem>>, vector<256x512xf32>
    %jit3A = arith.constant 0.000000e+00 : f32
    %broadcast_in_dim3A = vector.shape_cast %lt3A_7 : vector<256x1xi1> to vector<256x1xi1>
    %broadcast_in_dim3A_11 = vector.broadcast %broadcast_in_dim3A : vector<256x1xi1> to vector<256x512xi1>
    %broadcast_in_dim3A_12 = vector.broadcast %jit3A : f32 to vector<256x512xf32>
    %select_n3A = arith.select %broadcast_in_dim3A_11, %get3A_10, %broadcast_in_dim3A_12 : vector<256x512xi1>, vector<256x512xf32>
    %get3A_13 = arith.constant 0 : index
    %get3A_14 = arith.constant 0 : index
    %get3A_15 = vector.load %arg6[%get3A_13, %get3A_14] : memref<256x512xf32, #tpu.memory_space<vmem>>, vector<256x512xf32>
    %jit3A_16 = arith.constant 0.000000e+00 : f32
    %broadcast_in_dim3A_17 = vector.shape_cast %lt3A_7 : vector<256x1xi1> to vector<256x1xi1>
    %broadcast_in_dim3A_18 = vector.broadcast %broadcast_in_dim3A_17 : vector<256x1xi1> to vector<256x512xi1>
    %broadcast_in_dim3A_19 = vector.broadcast %jit3A_16 : f32 to vector<256x512xf32>
    %select_n3A_20 = arith.select %broadcast_in_dim3A_18, %get3A_15, %broadcast_in_dim3A_19 : vector<256x512xi1>, vector<256x512xf32>
    %get3A_21 = arith.index_cast %get3A_0 : i32 to index
    %get3A_22 = arith.constant 0 : index
    %get3A_23 = arith.constant 0 : index
    %get3A_24 = vector.load %arg7[%get3A_21, %get3A_22, %get3A_23] : memref<8x1024x512xf32, #tpu.memory_space<vmem>>, vector<1x512x512xf32>
    %get3A_25 = vector.shape_cast %get3A_24 : vector<1x512x512xf32> to vector<512x512xf32>
    %dot_general3A = arith.constant dense<0.000000e+00> : vector<256x512xf32>
    %dot_general3A_26 = tpu.matmul %select_n3A, %get3A_25, %dot_general3A {dimension_numbers = #tpu.dot_dimension_numbers<[1], [0], [0], [1], [0, 0, 1, 1], [], []>, transpose_lhs_hint = false} : vector<256x512xf32>, vector<512x512xf32>, vector<256x512xf32> -> vector<256x512xf32>
    %get3A_27 = arith.index_cast %get3A_0 : i32 to index
    %get3A_28 = arith.constant 512 : index
    %get3A_29 = arith.constant 0 : index
    %get3A_30 = vector.load %arg7[%get3A_27, %get3A_28, %get3A_29] : memref<8x1024x512xf32, #tpu.memory_space<vmem>>, vector<1x512x512xf32>
    %get3A_31 = vector.shape_cast %get3A_30 : vector<1x512x512xf32> to vector<512x512xf32>
    %dot_general3A_32 = arith.constant dense<0.000000e+00> : vector<256x512xf32>
    %dot_general3A_33 = tpu.matmul %select_n3A_20, %get3A_31, %dot_general3A_32 {dimension_numbers = #tpu.dot_dimension_numbers<[1], [0], [0], [1], [0, 0, 1, 1], [], []>, transpose_lhs_hint = false} : vector<256x512xf32>, vector<512x512xf32>, vector<256x512xf32> -> vector<256x512xf32>
    %add3A_34 = arith.addf %dot_general3A_26, %dot_general3A_33 : vector<256x512xf32>
    %get3A_35 = arith.index_cast %get3A_0 : i32 to index
    %get3A_36 = arith.constant 0 : index
    %get3A_37 = arith.constant 0 : index
    %get3A_38 = vector.load %arg8[%get3A_35, %get3A_36, %get3A_37] : memref<8x1x512xf32, #tpu.memory_space<vmem>>, vector<1x1x512xf32>
    %get3A_39 = vector.shape_cast %get3A_38 : vector<1x1x512xf32> to vector<1x512xf32>
    %add3A_40 = vector.broadcast %get3A_39 : vector<1x512xf32> to vector<256x512xf32>
    %add3A_41 = arith.addf %add3A_34, %add3A_40 : vector<256x512xf32>
    %gt3A = arith.constant 0.000000e+00 : f32
    %gt3A_42 = vector.broadcast %gt3A : f32 to vector<256x512xf32>
    %gt3A_43 = arith.cmpf ogt, %add3A_41, %gt3A_42 : vector<256x512xf32>
    %exp3A = math.exp %add3A_41 : vector<256x512xf32>
    %sub3A_44 = arith.constant 1.000000e+00 : f32
    %sub3A_45 = vector.broadcast %sub3A_44 : f32 to vector<256x512xf32>
    %sub3A_46 = arith.subf %exp3A, %sub3A_45 : vector<256x512xf32>
    %select_n3A_47 = arith.select %gt3A_43, %add3A_41, %sub3A_46 : vector<256x512xi1>, vector<256x512xf32>
    %get3A_48 = arith.index_cast %get3A_0 : i32 to index
    %get3A_49 = arith.constant 0 : index
    %get3A_50 = arith.constant 0 : index
    %get3A_51 = vector.load %arg9[%get3A_48, %get3A_49, %get3A_50] : memref<8x512x256xf32, #tpu.memory_space<vmem>>, vector<1x512x256xf32>
    %get3A_52 = vector.shape_cast %get3A_51 : vector<1x512x256xf32> to vector<512x256xf32>
    %dot_general3A_53 = arith.constant dense<0.000000e+00> : vector<256x256xf32>
    %dot_general3A_54 = tpu.matmul %select_n3A_47, %get3A_52, %dot_general3A_53 {dimension_numbers = #tpu.dot_dimension_numbers<[1], [0], [0], [1], [0, 0, 1, 1], [], []>, transpose_lhs_hint = false} : vector<256x512xf32>, vector<512x256xf32>, vector<256x256xf32> -> vector<256x256xf32>
    %get3A_55 = arith.index_cast %get3A_0 : i32 to index
    %get3A_56 = arith.constant 0 : index
    %get3A_57 = arith.constant 0 : index
    %get3A_58 = vector.load %arg10[%get3A_55, %get3A_56, %get3A_57] : memref<8x1x256xf32, #tpu.memory_space<vmem>>, vector<1x1x256xf32>
    %get3A_59 = vector.shape_cast %get3A_58 : vector<1x1x256xf32> to vector<1x256xf32>
    %add3A_60 = vector.broadcast %get3A_59 : vector<1x256xf32> to vector<256x256xf32>
    %add3A_61 = arith.addf %dot_general3A_54, %add3A_60 : vector<256x256xf32>
    %gt3A_62 = arith.constant 0.000000e+00 : f32
    %gt3A_63 = vector.broadcast %gt3A_62 : f32 to vector<256x256xf32>
    %gt3A_64 = arith.cmpf ogt, %add3A_61, %gt3A_63 : vector<256x256xf32>
    %exp3A_65 = math.exp %add3A_61 : vector<256x256xf32>
    %sub3A_66 = arith.constant 1.000000e+00 : f32
    %sub3A_67 = vector.broadcast %sub3A_66 : f32 to vector<256x256xf32>
    %sub3A_68 = arith.subf %exp3A_65, %sub3A_67 : vector<256x256xf32>
    %select_n3A_69 = arith.select %gt3A_64, %add3A_61, %sub3A_68 : vector<256x256xi1>, vector<256x256xf32>
    %convert_element_type3A = arith.extui %lt3A_7 : vector<256x1xi1> to vector<256x1xi32>
    %convert_element_type3A_70 = arith.sitofp %convert_element_type3A : vector<256x1xi32> to vector<256x1xf32>
    %mul3A_71 = vector.broadcast %convert_element_type3A_70 : vector<256x1xf32> to vector<256x256xf32>
    %mul3A_72 = arith.mulf %select_n3A_69, %mul3A_71 : vector<256x256xf32>
    %reduce_sum3A = arith.constant dense<0.000000e+00> : vector<256xf32>
    %reduce_sum3A_73 = vector.multi_reduction <add>, %mul3A_72, %reduce_sum3A [0] : vector<256x256xf32> to vector<256xf32>
    %broadcast_in_dim3A_74 = vector.shape_cast %reduce_sum3A_73 : vector<256xf32> to vector<1x256xf32>
    %get3A_75 = arith.index_cast %get3A_0 : i32 to index
    %get3A_76 = arith.constant 0 : index
    %get3A_77 = arith.constant 0 : index
    %get3A_78 = vector.load %arg11[%get3A_75, %get3A_76, %get3A_77] : memref<8x1x256xf32, #tpu.memory_space<vmem>>, vector<1x1x256xf32>
    %get3A_79 = vector.shape_cast %get3A_78 : vector<1x1x256xf32> to vector<1x256xf32>
    %mul3A_80 = arith.mulf %broadcast_in_dim3A_74, %get3A_79 : vector<1x256xf32>
    %reduce_sum3A_81 = vector.shape_cast %mul3A_80 : vector<1x256xf32> to vector<1x1x256xf32>
    %reduce_sum3A_82 = arith.constant dense<0.000000e+00> : vector<1xf32>
    %reduce_sum3A_83 = vector.multi_reduction <add>, %reduce_sum3A_81, %reduce_sum3A_82 [1, 2] : vector<1x1x256xf32> to vector<1xf32>
    %reduce_sum3A_84 = vector.shape_cast %reduce_sum3A_83 : vector<1xf32> to vector<1x1x1xf32>
    %reduce_sum3A_85 = vector.extract %reduce_sum3A_84[0, 0, 0] : f32 from vector<1x1x1xf32>
    %get3A_86 = arith.index_cast %get3A_0 : i32 to index
    %get3A_87 = memref.load %arg4[%get3A_86] : memref<8xf32, #tpu.memory_space<smem>>
    %reduce_sum3A_88 = vector.shape_cast %convert_element_type3A_70 : vector<256x1xf32> to vector<1x256x1xf32>
    %reduce_sum3A_89 = arith.constant dense<0.000000e+00> : vector<1xf32>
    %reduce_sum3A_90 = vector.multi_reduction <add>, %reduce_sum3A_88, %reduce_sum3A_89 [1, 2] : vector<1x256x1xf32> to vector<1xf32>
    %reduce_sum3A_91 = vector.shape_cast %reduce_sum3A_90 : vector<1xf32> to vector<1x1x1xf32>
    %reduce_sum3A_92 = vector.extract %reduce_sum3A_91[0, 0, 0] : f32 from vector<1x1x1xf32>
    %mul3A_93 = arith.mulf %get3A_87, %reduce_sum3A_92 : f32
    %add3A_94 = arith.addf %reduce_sum3A_85, %mul3A_93 : f32
    %eq3A = arith.constant 0 : i32
    %eq3A_95 = arith.cmpi eq, %arg0, %eq3A : i32
    %convert_element_type3A_96 = arith.extui %eq3A_95 : i1 to i32
    %cond3A = arith.constant 0 : i32
    %cond3A_97 = arith.cmpi ne, %convert_element_type3A_96, %cond3A : i32
    scf.if %cond3A_97 {
      %swap3A_104 = arith.constant 0.000000e+00 : f32
      %swap3A_105 = arith.constant 0 : index
      %swap3A_106 = arith.constant 0 : index
      %swap3A_107 = memref.load %arg12[%swap3A_105, %swap3A_106] : memref<1x1xf32, #tpu.memory_space<smem>>
      memref.store %swap3A_104, %arg12[%swap3A_105, %swap3A_106] : memref<1x1xf32, #tpu.memory_space<smem>>
    } else {
    }
    %get3A_98 = arith.constant 0 : index
    %get3A_99 = arith.constant 0 : index
    %get3A_100 = memref.load %arg12[%get3A_98, %get3A_99] : memref<1x1xf32, #tpu.memory_space<smem>>
    %add3A_101 = arith.addf %get3A_100, %add3A_94 : f32
    %swap3A = arith.constant 0 : index
    %swap3A_102 = arith.constant 0 : index
    %swap3A_103 = memref.load %arg12[%swap3A, %swap3A_102] : memref<1x1xf32, #tpu.memory_space<smem>>
    memref.store %add3A_101, %arg12[%swap3A, %swap3A_102] : memref<1x1xf32, #tpu.memory_space<smem>>
    return
  }
  func.func @transform_0(%arg0: i32, %arg1: memref<40xi32, #tpu.memory_space<smem>>, %arg2: memref<8xi32, #tpu.memory_space<smem>>, %arg3: memref<8xi32, #tpu.memory_space<smem>>, %arg4: memref<8xf32, #tpu.memory_space<smem>>) -> (i32, i32) {
    %c0_i32 = arith.constant 0 : i32
    %c0_i32_0 = arith.constant 0 : i32
    return %arg0, %c0_i32 : i32, i32
  }
  func.func @transform_1(%arg0: i32, %arg1: memref<40xi32, #tpu.memory_space<smem>>, %arg2: memref<8xi32, #tpu.memory_space<smem>>, %arg3: memref<8xi32, #tpu.memory_space<smem>>, %arg4: memref<8xf32, #tpu.memory_space<smem>>) -> (i32, i32) {
    %c1_i32 = arith.constant 1 : i32
    %c0_i32 = arith.constant 0 : i32
    return %arg0, %c1_i32 : i32, i32
  }
  func.func @transform_2(%arg0: i32, %arg1: memref<40xi32, #tpu.memory_space<smem>>, %arg2: memref<8xi32, #tpu.memory_space<smem>>, %arg3: memref<8xi32, #tpu.memory_space<smem>>, %arg4: memref<8xf32, #tpu.memory_space<smem>>) -> (i32, i32, i32) {
    %c0_i32 = arith.constant 0 : i32
    %c0_i32_0 = arith.constant 0 : i32
    %c0_i32_1 = arith.constant 0 : i32
    %c0_i32_2 = arith.constant 0 : i32
    return %c0_i32, %c0_i32_0, %c0_i32_1 : i32, i32, i32
  }
  func.func @transform_3(%arg0: i32, %arg1: memref<40xi32, #tpu.memory_space<smem>>, %arg2: memref<8xi32, #tpu.memory_space<smem>>, %arg3: memref<8xi32, #tpu.memory_space<smem>>, %arg4: memref<8xf32, #tpu.memory_space<smem>>) -> (i32, i32, i32) {
    %c0_i32 = arith.constant 0 : i32
    %c0_i32_0 = arith.constant 0 : i32
    %c0_i32_1 = arith.constant 0 : i32
    %c0_i32_2 = arith.constant 0 : i32
    return %c0_i32, %c0_i32_0, %c0_i32_1 : i32, i32, i32
  }
  func.func @transform_4(%arg0: i32, %arg1: memref<40xi32, #tpu.memory_space<smem>>, %arg2: memref<8xi32, #tpu.memory_space<smem>>, %arg3: memref<8xi32, #tpu.memory_space<smem>>, %arg4: memref<8xf32, #tpu.memory_space<smem>>) -> (i32, i32, i32) {
    %c0_i32 = arith.constant 0 : i32
    %c0_i32_0 = arith.constant 0 : i32
    %c0_i32_1 = arith.constant 0 : i32
    %c0_i32_2 = arith.constant 0 : i32
    return %c0_i32, %c0_i32_0, %c0_i32_1 : i32, i32, i32
  }
  func.func @transform_5(%arg0: i32, %arg1: memref<40xi32, #tpu.memory_space<smem>>, %arg2: memref<8xi32, #tpu.memory_space<smem>>, %arg3: memref<8xi32, #tpu.memory_space<smem>>, %arg4: memref<8xf32, #tpu.memory_space<smem>>) -> (i32, i32, i32) {
    %c0_i32 = arith.constant 0 : i32
    %c0_i32_0 = arith.constant 0 : i32
    %c0_i32_1 = arith.constant 0 : i32
    %c0_i32_2 = arith.constant 0 : i32
    return %c0_i32, %c0_i32_0, %c0_i32_1 : i32, i32, i32
  }
  func.func @transform_6(%arg0: i32, %arg1: memref<40xi32, #tpu.memory_space<smem>>, %arg2: memref<8xi32, #tpu.memory_space<smem>>, %arg3: memref<8xi32, #tpu.memory_space<smem>>, %arg4: memref<8xf32, #tpu.memory_space<smem>>) -> (i32, i32, i32) {
    %c0_i32 = arith.constant 0 : i32
    %c0_i32_0 = arith.constant 0 : i32
    %c0_i32_1 = arith.constant 0 : i32
    %c0_i32_2 = arith.constant 0 : i32
    return %c0_i32, %c0_i32_0, %c0_i32_1 : i32, i32, i32
  }
  func.func @transform_7(%arg0: i32, %arg1: memref<40xi32, #tpu.memory_space<smem>>, %arg2: memref<8xi32, #tpu.memory_space<smem>>, %arg3: memref<8xi32, #tpu.memory_space<smem>>, %arg4: memref<8xf32, #tpu.memory_space<smem>>) -> (i32, i32) {
    %c0_i32 = arith.constant 0 : i32
    %c0_i32_0 = arith.constant 0 : i32
    %c0_i32_1 = arith.constant 0 : i32
    return %c0_i32, %c0_i32_0 : i32, i32
  }
}

</mosaic_0001>

<sc_bundles>
// kernel: kernel.4.cloned.1.call-start
scs
__scs_entry_jumppad:
0x0: {  	(pc) =	sbr.rel $0x88, $3  }
0x1: {  	(tag) =	ssettag $0x0;
	lr =	simm.s32 $0x1  }
0x2: {  	[smem:$0x3F99] =	sst lr;
	_ =	strace $0xD0000000  }
0x3: {  	_ = 	snop  }
0x4: {  	_ = 	snop  }
0x5: {  	_ = 	snop  }
0x6: {  	_ = 	snop  }
0x7: {  	_ = 	snop  }
__scs_overlays_trampoline_lowered:
0x8: {  	[smem:$0x3FA8] =	sst s0  }
0x9: {  	[smem:$0x3FA9] =	sst s1  }
0xa: {  	[smem:$0x3FAA] =	sst s2  }
0xb: {  	[smem:$0x3FAB] =	sst s3  }
0xc: {  	[smem:$0x3FAC] =	sst s4  }
0xd: {  	[smem:$0x3FAD] =	sst s5  }
0xe: {  	[smem:$0x3FAE] =	sst s6  }
0xf: {  	[smem:$0x3FAF] =	sst s7  }
0x10: {  	[smem:$0x3FB0] =	sst s8  }
0x11: {  	[smem:$0x3FB1] =	sst s9;
	s0 =	simm.s32 @!p0 $0x0  }
0x12: {  	s1 =	sld [smem:$0x3F97];
	s0 =	simm.s32 @p0 $0x1  }
0x13: {  	[smem:$0x3FB2] =	sst s0;
	s0 =	simm.s32 @!p1 $0x0  }
0x14: {  	s2 =	sld [smem:$0x3F96];
	s0 =	simm.s32 @p1 $0x1  }
0x15: {  	[smem:$0x3FB3] =	sst s0;
	s0 =	simm.s32 @!p2 $0x0  }
0x16: {  	s3 =	sld [smem:$0x3FDB];
	s0 =	simm.s32 @p2 $0x1  }
0x17: {  	s4 =	simm.s32 $0x1BF5;
	[smem:$0x3FB5] =	sst s0  }
0x18: {  	s0 =	sld [smem:$0x3F98];
	_ =	swait.ge [sflag:s4], $0x0  }
0x19: {  	s7 =	sld [smem:$0x3F99]  }
0x1a: {  	s8 =	sadd.s32 $0xFFFFE003, lr  }
0x1b: {  	s9 =	sadd.s32 $0xFFFFFEF7, lr;
	s5 =	simm.s32 $0xFFFFFFFF;
	p2 =	slt.u32 s8, $0xFFFFF086  }
0x1c: {  	p1 =	slt.u32 s9, $0xF7A;
	s5 =	simm.s32 @!p2 $0x0  }
0x1d: {  	s5 =	simm.s32 @p1 $0x1;
	p0 =	seq.s32 s7, s2  }
0x1e: {  	s7 =	smul.u32 @!p0 $0xF7A, s2;
	p2 =	seq.s32 @!p0 s5, $0x0  }
0x1f: {  	s9 =	smul.u32 $0xF7A, s1;
	s8 =	simm.s32 @!p0 $0x1BF5;
	p2 =	por !p2, p0  }
0x20: {  	[sflag:s8] =	ssyncset.s32 @!p0 $0xFFFFF086;
	s6 =	sadd.s32 @!p0 s3, s7;
	s7 =	simm.s32 @!p0 $0x108  }
0x21: {  	s3 =	sadd.s32 s3, s9;
	s6 =	sadd.s32 @!p0 $0x88, s6;
	s7 =	simm.s32 @p2 $0x1082  }
0x22: {  	[simem:s7], [sflag:s8] =	dma.local @!p0 [hbm:s6], $0xF7A  }
0x23: {  	s9 =	sor.u32 $0xD0000000, s2;
	s6 =	simm.s32 $0x108;
	_ =	swait.ge @!p0 [sflag:s8], $0x0  }
0x24: {  	s3 =	sadd.s32 $0x88, s3;
	s6 =	simm.s32 @!p1 $0x1082;
	[sflag:s4] =	ssyncset.s32 $0xFFFFF086  }
0x25: {  	[simem:s6], [sflag:s4] =	dma.local [hbm:s3], $0xF7A  }
0x26: {  	[smem:$0x3F99] =	sst s1;
	(tag) =	ssettag s2;
	_ =	strace s9  }
0x27: {  	s1 =	sld [smem:$0x3FA9]  }
0x28: {  	s2 =	sld [smem:$0x3FAA]  }
0x29: {  	s4 =	sld [smem:$0x3FAC]  }
0x2a: {  	p0 =	seq.s32 s5, $0x0;
	s5 =	sld [smem:$0x3FAD]  }
0x2b: {  	s6 =	sld [smem:$0x3FAE]  }
0x2c: {  	s7 =	sld [smem:$0x3FAF]  }
0x2d: {  	s3 =	simm.s32 $0x108;
	s8 =	sld [smem:$0x3FB0]  }
0x2e: {  	s3 =	simm.s32 @!p0 $0x1082;
	s9 =	sld [smem:$0x3FB1]  }
0x2f: {  	lr =	sadd.s32 s0, s3;
	s0 =	sld [smem:$0x3FA8]  }
0x30: {  	s3 =	sld [smem:$0x3FAB]  }
0x31: {  	[smem:$0x3FB4] =	sst s10  }
0x32: {  	s10 =	sld [smem:$0x3FB2];
	_ =	sdelay $0x3  }
0x33: {  	p0 =	seq.s32 s10, $0x1;
	s10 =	sld [smem:$0x3FB4];
	_ =	sdelay $0x3  }
0x34: {  	[smem:$0x3FB4] =	sst s10  }
0x35: {  	s10 =	sld [smem:$0x3FB3];
	_ =	sdelay $0x3  }
0x36: {  	p1 =	seq.s32 s10, $0x1;
	s10 =	sld [smem:$0x3FB4];
	_ =	sdelay $0x3  }
0x37: {  	[smem:$0x3FB4] =	sst s10  }
0x38: {  	s10 =	sld [smem:$0x3FB5]  }
0x39: {  	_ = 	snop;
	(pc) =	sbr.ind lr, $3  }
0x3a: {  	_ = 	snop  }
0x3b: {  	_ = 	snop  }
0x3c: {  	p2 =	seq.s32 s10, $0x1;
	s10 =	sld [smem:$0x3FB4]  }
0x3d: {  	_ =	shalt  }
0x3e: {  	_ =	shalt  }
0x3f: {  	_ =	shalt  }
0x40: {  	_ =	shalt  }
0x41: {  	_ =	shalt  }
0x42: {  	_ =	shalt  }
0x43: {  	_ =	shalt  }
0x44: {  	_ =	shalt  }
0x45: {  	_ =	shalt  }
0x46: {  	_ =	shalt  }
0x47: {  	_ =	shalt  }
0x48: {  	_ =	shalt  }
0x49: {  	_ =	shalt  }
0x4a: {  	_ =	shalt  }
0x4b: {  	_ =	shalt  }
0x4c: {  	_ =	shalt  }
0x4d: {  	_ =	shalt  }
0x4e: {  	_ =	shalt  }
0x4f: {  	_ =	shalt  }
0x50: {  	_ =	shalt  }
0x51: {  	_ =	shalt  }
0x52: {  	_ =	shalt  }
0x53: {  	_ =	shalt  }
0x54: {  	_ =	shalt  }
0x55: {  	_ =	shalt  }
0x56: {  	_ =	shalt  }
0x57: {  	_ =	shalt  }
0x58: {  	_ =	shalt  }
0x59: {  	_ =	shalt  }
0x5a: {  	_ =	shalt  }
0x5b: {  	_ =	shalt  }
0x5c: {  	_ =	shalt  }
0x5d: {  	_ =	shalt  }
0x5e: {  	_ =	shalt  }
0x5f: {  	_ =	shalt  }
0x60: {  	_ =	shalt  }
0x61: {  	_ =	shalt  }
0x62: {  	_ =	shalt  }
0x63: {  	_ =	shalt  }
0x64: {  	_ =	shalt  }
0x65: {  	_ =	shalt  }
0x66: {  	_ =	shalt  }
0x67: {  	_ =	shalt  }
0x68: {  	_ =	shalt  }
0x69: {  	_ =	shalt  }
0x6a: {  	_ =	shalt  }
0x6b: {  	_ =	shalt  }
0x6c: {  	_ =	shalt  }
0x6d: {  	_ =	shalt  }
0x6e: {  	_ =	shalt  }
0x6f: {  	_ =	shalt  }
0x70: {  	_ =	shalt  }
0x71: {  	_ =	shalt  }
0x72: {  	_ =	shalt  }
0x73: {  	_ =	shalt  }
0x74: {  	_ =	shalt  }
0x75: {  	_ =	shalt  }
0x76: {  	_ =	shalt  }
0x77: {  	_ =	shalt  }
0x78: {  	_ =	shalt  }
0x79: {  	_ =	shalt  }
0x7a: {  	_ =	shalt  }
0x7b: {  	_ =	shalt  }
0x7c: {  	_ =	shalt  }
0x7d: {  	_ =	shalt  }
0x7e: {  	_ =	shalt  }
0x7f: {  	_ =	shalt  }
0x80: {  	_ =	shalt  }
0x81: {  	_ =	shalt  }
0x82: {  	_ =	shalt  }
0x83: {  	_ =	shalt  }
0x84: {  	_ =	shalt  }
0x85: {  	_ =	shalt  }
0x86: {  	_ =	shalt  }
0x87: {  	_ =	shalt  }
.Lfunc_end0:
.L_simem_size_0:
called_computation_lowered:
.L_overlay_start_0:
0x88: {  	s2 =	sld [smem:$0x3FD9]  }
0x89: {  	s3 =	sld [smem:$0x3FFE];
	_ =	sdelay $0x1  }
0x8a: {  	s1 =	srdreg.scid  }
0x8b: {  	s0 =	sand.u32 $0x1, s1  }
0x8c: {  	s17 =	sshll.u32 s0, $0xA;
	s2 =	sadd.s32 s3, s2  }
0x8d: {  	s2 =	sadd.s32 s2, s17  }
0x8e: {  	[smem:$0x3FC0] =	sst s2  }
0x8f: {  	_ = 	snop  }
0x90: {  	s2 =	sld [smem:$0x3FC9];
	(tm) =	ssettm $0x1  }
0x91: {  	s18 =	sld [smem:$0x3FFB];
	_ =	sdelay $0x3  }
0x92: {  	_ =	strace s18  }
0x93: {  	s3 =	sld [smem:$0x3FFC];
	_ =	sdelay $0x3  }
0x94: {  	_ =	strace s3  }
0x95: {  	s3 =	sld [smem:$0x3FFD];
	_ =	sdelay $0x3  }
0x96: {  	_ =	strace s3  }
0x97: {  	_ =	strace $0x8FFFFFFF  }
0x98: {  	s19 =	sld [smem:$0x3FDB];
	_ =	sdelay $0x1  }
0x99: {  	s4 =	simm.s32 $_scs_section_size  }
0x9a: {  	s5 =	simm.s32 $_size__tile_overlayer_lowered;
	s6 =	simm.s32 $_tile_overlayer_lowered  }
0x9b: {  	s22 =	simm.s32 $0x1BFF;
	s21 =	sshll.u32 s6, $0x1;
	s3 =	sadd.s32 s4, s19  }
0x9c: {  	s7 =	simm.s32 $0x0;
	s20 =	sshll.u32 s5, $0x1;
	s5 =	sadd.s32 s21, s3  }
0x9d: {  	[timem:s7], [sflag:s22] =	dma.local [hbm:s5], s20  }
0x9e: {  	_ =	swait.ge [sflag:s22], s20  }
0x9f: {  	s4 =	ssub.s32 $0x0, s20;
	[sflag:s22] =	ssyncset.done $0x0  }
0xa0: {  	[sflag:s22] =	ssyncadd.s32 s4;
	_ =	sdelay $0x1  }
0xa1: {  	s23 =	simm.s32 $0x1B8B  }
0xa2: {  	_ =	swait.ge [sflag:s23], $0x1  }
0xa3: {  	[sflag:s23] =	ssyncset.done $0x0  }
0xa4: {  	s25 =	simm.s32 $0x1B8E;
	s24 =	sld [smem:$0x3FFE];
	[sflag:s23] =	ssyncadd.s32 $0xFFFFFFFF  }
0xa5: {  	s26 =	simm.s32 $execute0_lowered;
	[smem:$0x3FD2] =	sst s25  }
0xa6: {  	s5 =	sshll.u32 s26, $0x1;
	_ =	strace $0x80000046;
	[dreg:$0x1] =	wrdreg $0xFFFFFFFF  }
0xa7: {  	s28 =	simm.s32 $_size_execute0_lowered;
	s3 =	sadd.s32 s3, s5;
	[dreg:$0x0] =	wrdreg $0x0  }
0xa8: {  	s5 =	sshll.u32 s28, $0x1;
	[dreg:$0x2] =	wrdreg s3  }
0xa9: {  	[dreg:$0x3] =	wrdreg s5  }
0xaa: {  	[dreg:$0x4] =	wrdreg $0xC0  }
0xab: {  	_ =	task [dreg:s7], $0x5FFFF  }
0xac: {  	[dreg:$0x1] =	wrdreg $0xFFFFFFFF  }
0xad: {  	[dreg:$0x0] =	wrdreg $0x60  }
0xae: {  	[dreg:$0x2] =	wrdreg s2  }
0xaf: {  	[dreg:$0x3] =	wrdreg s24  }
0xb0: {  	[dreg:$0x4] =	wrdreg $0x9  }
0xb1: {  	_ =	task.clear_ibuf [dreg:s7], $0x5FFFF;
	_ =	strace $0x90000046  }
0xb2: {  	s29 =	simm.s32 $0x9;
	_ =	strace $0x80000048  }
0xb3: {  	_ =	swait.ge [sflag:s29], $0x1  }
0xb4: {  	[sflag:s29] =	ssyncadd.s32 $0xFFFFFFFF  }
0xb5: {  	_ =	strace $0x90000048  }
0xb6: {  	_ =	sfence  }
0xb7: {  	s30 =	sld [smem:$0x0];
	_ =	sdelay $0x2  }
0xb8: {  	s31 =	sshll.u32 s1, $0xD;
	s1 =	sshrl.u32 s1, $0x2  }
0xb9: {  	s3 =	sand.u32 $0x4000, s31;
	s1 =	sadd.s32 s1, s30  }
0xba: {  	s0 =	sor.u32 s3, s0;
	s1 =	sshll.u32 s1, $0x11  }
0xbb: {  	s0 =	sor.u32 s1, s0  }
0xbc: {  	s0 =	sadd.s32 $0x8F2B, s0  }
0xbd: {  	[sflag:s0] =	ssyncadd.remote.s32 $0x1  }
0xbe: {  	_ =	sfence.sel $0xFFFF  }
0xbf: {  	[dreg:$0x0] =	wrdreg $0xFFFFFFFF;
	(pc) =	sbr.abs _section_cstart, $3  }
0xc0: {  	[dreg:$0x1] =	wrdreg $0xFFFFFFFF  }
0xc1: {  	_ =	task.clear_ibuf [dreg:s7], $0x2FFFF;
	_ =	strace $0x9FFFFFFF  }
0xc2: {  	(tm) =	ssettm $0x7FFFFFFF  }
0xc3: {  	_ =	shalt  }
tec
execute0_lowered:
.L_overlay_start_1:
0x0: {  	(tag) =	ssettag $0x1  }
0x1: {  	s0 =	rddreg [dreg:$0x0];
	s1 =	srdreg.scid  }
0x2: {  	s2 =	stileid.u32;
	s3 =	rddreg [dreg:$0x1];
	s30 =	simm.s32 $0x2  }
0x3: {  	s11 =	simm.s32 $0x400;
	s21 =	simm.s32 $0x16400;
	s29 =	simm.s32 $0x17C00  }
0x4: {  	s13 =	simm.s32 $0xA400;
	s14 =	simm.s32 $0xAC00;
	s15 =	simm.s32 $0xB400  }
0x5: {  	s19 =	simm.s32 $0xEC00;
	s1 =	sand.u32 $0x1, s1;
	s4 =	sshll.u32 s2, $0x1  }
0x6: {  	s20 =	simm.s32 $0xF400;
	s2 =	simm.s32 $0x0;
	s4 =	sor.u32 s1, s4  }
0x7: {  	s6 =	sadd.s32 $0x1200, s3;
	s7 =	sadd.s32 $0x1300, s3;
	s5 =	sshll.u32 s4, $0x7  }
0x8: {  	[smem:$0x7FF] =	sst s2;
	s4 =	sshll.u32 s4, $0xF;
	s5 =	sadd.s32 s3, s5  }
0x9: {  	_ =	strace $0x80000047;
	s8 =	sadd.s32 s0, s4;
	[dreg:$0x3] =	wrdreg s5  }
0xa: {  	s1 =	ssub.s32 $0x2, s1;
	s0 =	sadd.s32 $0x1000, s8;
	[dreg:$0xb] =	wrdreg s8  }
0xb: {  	s23 =	sshrl.u32 s1, $0x1;
	s22 =	sadd.s32 $0x2000, s8;
	[dreg:$0x4] =	wrdreg s0  }
0xc: {  	s4 =	sadd.s32 $0x1000, s3;
	s24 =	sadd.s32 $0x3000, s8;
	[dreg:$0x5] =	wrdreg s22  }
0xd: {  	s1 =	ssub.s32 s1, s23;
	s25 =	sadd.s32 $0x4000, s8;
	[dreg:$0x6] =	wrdreg s24  }
0xe: {  	s23 =	simm.s32 $0x4;
	s26 =	sadd.s32 $0x5000, s8;
	[dreg:$0x7] =	wrdreg s25  }
0xf: {  	s5 =	sadd.s32 $0x1100, s3;
	s28 =	sadd.s32 $0x6000, s8;
	[dreg:$0x8] =	wrdreg s26  }
0x10: {  	v2 =	vlaneseq.u32;
	s31 =	sadd.s32 $0x7000, s8;
	s8 =	smax.u32 s1, $0x1;
	[dreg:$0x9] =	wrdreg s28  }
0x11: {  	vm0 =	vmmov $0xffff;
	v1 =	vshrl.u32 v2, $0x3;
	s1 =	simm.s32 $0x1;
	[dreg:$0xa] =	wrdreg s31;
	s25 =	simm.s32 $0x5  }
0x12: {  	v0 =	vand.u32 $0x7, v2;
	v2 =	vor.u32 $0x8, v2;
	v1 =	vmul.u32 $0x8, v1;
	s26 =	simm.s32 $0x3;
	s22 =	simm.s32 $0x16C00;
	s24 =	simm.s32 $0x17400  }
.LBB2_1:
0x13: {  	s28 =	rddreg [dreg:$0x3];
	s17 =	simm.s32 $0x7  }
0x14: {  	[tilespmem:s2], [sflag:$0x7] =	stream.linear.gather [hbm4b:s28+s2], $0x400, $0x38;
	[tilespmem:$0x18400] =	vst v63  }
0x15: {  	_ =	swait.ge [sflag:s17], $0x400  }
0x16: {  	[sflag:s17] =	ssyncset.done $0x0  }
0x17: {  	s31 =	rddreg [dreg:$0xb];
	[sflag:s17] =	ssyncadd.s32 $0xFFFFFC00  }
0x18: {  	[tilespmem:s11], [sflag:$0x1] =	stream.linear.gather [hbm4b:s31+s2], $0x8000, $0x38;
	[tilespmem:$0x18400] =	vst v63  }
0x19: {  	s0 =	simm.s32 $0x8400;
	s18 =	rddreg [dreg:$0x4]  }
0x1a: {  	[tilespmem:s0], [sflag:$0x2] =	stream.linear.gather [hbm4b:s18+s2], $0x8000, $0x38;
	[tilespmem:$0x18400] =	vst v63  }
0x1b: {  	_ =	swait.ge [sflag:s1], $0x8000  }
0x1c: {  	[sflag:s1] =	ssyncset.done $0x0  }
0x1d: {  	[sflag:s1] =	ssyncadd.s32 $0xFFFF8000  }
0x1e: {  	v3 =	vld [tilespmem:$0x0];
	_ =	sdelay $0x4  }
0x1f: {  	v4 =	vshll.u32 v3, $0x3  }
0x20: {  	v3 =	vand.u32 $0x7, v3;
	v4 =	vand.u32 $0xFFFFFFC0, v4  }
0x21: {  	v3 =	vor.u32 v3, v4  }
0x22: {  	v4 =	vperm.xlane v3, v0;
	_ =	sdelay $0x1  }
0x23: {  	v4 =	vadd.s32 v1, v4;
	_ =	sdelay $0x4  }
0x24: {  	[hbm4b:s4+s2] =	stream.indirect_vreg.scatter [tilespmem:s11], [sflag:$0x4], $0x80, v4, vm0, $0xb8;
	[tilespmem:$0x18400] =	vst v63  }
0x25: {  	s3 =	simm.s32 $0xC00;
	v3 =	vperm.xlane v3, v2  }
0x26: {  	[hbm4b:s5+s2] =	stream.indirect_vreg.scatter [tilespmem:s3], [sflag:$0x4], $0x80, v4, vm0, $0xb8;
	[tilespmem:$0x18400] =	vst v63  }
0x27: {  	s28 =	simm.s32 $0x1400;
	v3 =	vadd.s32 v1, v3  }
0x28: {  	[hbm4b:s6+s2] =	stream.indirect_vreg.scatter [tilespmem:s28], [sflag:$0x4], $0x80, v4, vm0, $0xb8;
	[tilespmem:$0x18400] =	vst v63  }
0x29: {  	s31 =	simm.s32 $0x1C00  }
0x2a: {  	[hbm4b:s7+s2] =	stream.indirect_vreg.scatter [tilespmem:s31], [sflag:$0x4], $0x80, v4, vm0, $0xb8;
	[tilespmem:$0x18400] =	vst v63  }
0x2b: {  	s9 =	simm.s32 $0x2400  }
0x2c: {  	[hbm4b:s4+s2] =	stream.indirect_vreg.scatter [tilespmem:s9], [sflag:$0x4], $0x80, v3, vm0, $0xb8;
	[tilespmem:$0x18400] =	vst v63  }
0x2d: {  	s10 =	simm.s32 $0x2C00  }
0x2e: {  	[hbm4b:s5+s2] =	stream.indirect_vreg.scatter [tilespmem:s10], [sflag:$0x4], $0x80, v3, vm0, $0xb8;
	[tilespmem:$0x18400] =	vst v63  }
0x2f: {  	s16 =	simm.s32 $0x3400  }
0x30: {  	[hbm4b:s6+s2] =	stream.indirect_vreg.scatter [tilespmem:s16], [sflag:$0x4], $0x80, v3, vm0, $0xb8;
	[tilespmem:$0x18400] =	vst v63  }
0x31: {  	s17 =	simm.s32 $0x3C00  }
0x32: {  	[hbm4b:s7+s2] =	stream.indirect_vreg.scatter [tilespmem:s17], [sflag:$0x4], $0x80, v3, vm0, $0xb8;
	[tilespmem:$0x18400] =	vst v63  }
0x33: {  	v3 =	vld [tilespmem:$0x10];
	_ =	sdelay $0x4  }
0x34: {  	v49 =	vshll.u32 v3, $0x3  }
0x35: {  	v3 =	vand.u32 $0x7, v3;
	v4 =	vand.u32 $0xFFFFFFC0, v49  }
0x36: {  	v3 =	vor.u32 v3, v4  }
0x37: {  	v4 =	vperm.xlane v3, v0;
	_ =	sdelay $0x1  }
0x38: {  	v4 =	vadd.s32 v1, v4;
	_ =	sdelay $0x3  }
0x39: {  	s18 =	simm.s32 $0x4400  }
0x3a: {  	[hbm4b:s4+s2] =	stream.indirect_vreg.scatter [tilespmem:s18], [sflag:$0x4], $0x80, v4, vm0, $0xb8;
	[tilespmem:$0x18400] =	vst v63  }
0x3b: {  	s28 =	simm.s32 $0x4C00;
	v3 =	vperm.xlane v3, v2  }
0x3c: {  	[hbm4b:s5+s2] =	stream.indirect_vreg.scatter [tilespmem:s28], [sflag:$0x4], $0x80, v4, vm0, $0xb8;
	[tilespmem:$0x18400] =	vst v63  }
0x3d: {  	s31 =	simm.s32 $0x5400;
	v3 =	vadd.s32 v1, v3  }
0x3e: {  	[hbm4b:s6+s2] =	stream.indirect_vreg.scatter [tilespmem:s31], [sflag:$0x4], $0x80, v4, vm0, $0xb8;
	[tilespmem:$0x18400] =	vst v63  }
0x3f: {  	s9 =	simm.s32 $0x5C00  }
0x40: {  	[hbm4b:s7+s2] =	stream.indirect_vreg.scatter [tilespmem:s9], [sflag:$0x4], $0x80, v4, vm0, $0xb8;
	[tilespmem:$0x18400] =	vst v63  }
0x41: {  	s10 =	simm.s32 $0x6400  }
0x42: {  	[hbm4b:s4+s2] =	stream.indirect_vreg.scatter [tilespmem:s10], [sflag:$0x4], $0x80, v3, vm0, $0xb8;
	[tilespmem:$0x18400] =	vst v63  }
0x43: {  	s16 =	simm.s32 $0x6C00  }
0x44: {  	[hbm4b:s5+s2] =	stream.indirect_vreg.scatter [tilespmem:s16], [sflag:$0x4], $0x80, v3, vm0, $0xb8;
	[tilespmem:$0x18400] =	vst v63  }
0x45: {  	s17 =	simm.s32 $0x7400  }
0x46: {  	[hbm4b:s6+s2] =	stream.indirect_vreg.scatter [tilespmem:s17], [sflag:$0x4], $0x80, v3, vm0, $0xb8;
	[tilespmem:$0x18400] =	vst v63  }
0x47: {  	s31 =	simm.s32 $0x7C00  }
0x48: {  	[hbm4b:s7+s2] =	stream.indirect_vreg.scatter [tilespmem:s31], [sflag:$0x4], $0x80, v3, vm0, $0xb8;
	[tilespmem:$0x18400] =	vst v63  }
0x49: {  	s18 =	rddreg [dreg:$0x5];
	s10 =	simm.s32 $0x10400  }
0x4a: {  	[tilespmem:s10], [sflag:$0x3] =	stream.linear.gather [hbm4b:s18+s2], $0x8000, $0x38;
	[tilespmem:$0x18400] =	vst v63  }
0x4b: {  	_ =	swait.ge [sflag:s30], $0x8000  }
0x4c: {  	[sflag:s30] =	ssyncset.done $0x0  }
0x4d: {  	[sflag:s30] =	ssyncadd.s32 $0xFFFF8000  }
0x4e: {  	v3 =	vld [tilespmem:$0x80];
	_ =	sdelay $0x4  }
0x4f: {  	v50 =	vshll.u32 v3, $0x3  }
0x50: {  	v3 =	vand.u32 $0x7, v3;
	v4 =	vand.u32 $0xFFFFFFC0, v50  }
0x51: {  	v3 =	vor.u32 v3, v4  }
0x52: {  	v4 =	vperm.xlane v3, v0;
	_ =	sdelay $0x1  }
0x53: {  	v4 =	vadd.s32 v1, v4;
	_ =	sdelay $0x4  }
0x54: {  	[hbm4b:s4+s2] =	stream.indirect_vreg.scatter [tilespmem:s0], [sflag:$0x5], $0x80, v4, vm0, $0xb8;
	[tilespmem:$0x18400] =	vst v63  }
0x55: {  	s9 =	simm.s32 $0x8C00;
	v3 =	vperm.xlane v3, v2  }
0x56: {  	[hbm4b:s5+s2] =	stream.indirect_vreg.scatter [tilespmem:s9], [sflag:$0x5], $0x80, v4, vm0, $0xb8;
	[tilespmem:$0x18400] =	vst v63  }
0x57: {  	s16 =	simm.s32 $0x9400;
	v3 =	vadd.s32 v1, v3  }
0x58: {  	[hbm4b:s6+s2] =	stream.indirect_vreg.scatter [tilespmem:s16], [sflag:$0x5], $0x80, v4, vm0, $0xb8;
	[tilespmem:$0x18400] =	vst v63  }
0x59: {  	s17 =	simm.s32 $0x9C00  }
0x5a: {  	[hbm4b:s7+s2] =	stream.indirect_vreg.scatter [tilespmem:s17], [sflag:$0x5], $0x80, v4, vm0, $0xb8;
	[tilespmem:$0x18400] =	vst v63  }
0x5b: {  	s18 =	simm.s32 $0xA400  }
0x5c: {  	[hbm4b:s4+s2] =	stream.indirect_vreg.scatter [tilespmem:s18], [sflag:$0x5], $0x80, v3, vm0, $0xb8;
	[tilespmem:$0x18400] =	vst v63  }
0x5d: {  	s28 =	simm.s32 $0xAC00  }
0x5e: {  	[hbm4b:s5+s2] =	stream.indirect_vreg.scatter [tilespmem:s28], [sflag:$0x5], $0x80, v3, vm0, $0xb8;
	[tilespmem:$0x18400] =	vst v63  }
0x5f: {  	s31 =	simm.s32 $0xB400  }
0x60: {  	[hbm4b:s6+s2] =	stream.indirect_vreg.scatter [tilespmem:s31], [sflag:$0x5], $0x80, v3, vm0, $0xb8;
	[tilespmem:$0x18400] =	vst v63  }
0x61: {  	s16 =	simm.s32 $0xBC00  }
0x62: {  	[hbm4b:s7+s2] =	stream.indirect_vreg.scatter [tilespmem:s16], [sflag:$0x5], $0x80, v3, vm0, $0xb8;
	[tilespmem:$0x18400] =	vst v63  }
0x63: {  	v3 =	vld [tilespmem:$0x90];
	_ =	sdelay $0x4  }
0x64: {  	v51 =	vshll.u32 v3, $0x3  }
0x65: {  	v3 =	vand.u32 $0x7, v3;
	v4 =	vand.u32 $0xFFFFFFC0, v51  }
0x66: {  	v3 =	vor.u32 v3, v4  }
0x67: {  	v4 =	vperm.xlane v3, v0;
	_ =	sdelay $0x1  }
0x68: {  	v4 =	vadd.s32 v1, v4;
	_ =	sdelay $0x3  }
0x69: {  	s17 =	simm.s32 $0xC400  }
0x6a: {  	[hbm4b:s4+s2] =	stream.indirect_vreg.scatter [tilespmem:s17], [sflag:$0x5], $0x80, v4, vm0, $0xb8;
	[tilespmem:$0x18400] =	vst v63  }
0x6b: {  	s18 =	simm.s32 $0xCC00;
	v3 =	vperm.xlane v3, v2  }
0x6c: {  	[hbm4b:s5+s2] =	stream.indirect_vreg.scatter [tilespmem:s18], [sflag:$0x5], $0x80, v4, vm0, $0xb8;
	[tilespmem:$0x18400] =	vst v63  }
0x6d: {  	s28 =	simm.s32 $0xD400;
	v3 =	vadd.s32 v1, v3  }
0x6e: {  	[hbm4b:s6+s2] =	stream.indirect_vreg.scatter [tilespmem:s28], [sflag:$0x5], $0x80, v4, vm0, $0xb8;
	[tilespmem:$0x18400] =	vst v63  }
0x6f: {  	s31 =	simm.s32 $0xDC00  }
0x70: {  	[hbm4b:s7+s2] =	stream.indirect_vreg.scatter [tilespmem:s31], [sflag:$0x5], $0x80, v4, vm0, $0xb8;
	[tilespmem:$0x18400] =	vst v63  }
0x71: {  	s28 =	simm.s32 $0xE400  }
0x72: {  	[hbm4b:s4+s2] =	stream.indirect_vreg.scatter [tilespmem:s28], [sflag:$0x5], $0x80, v3, vm0, $0xb8;
	[tilespmem:$0x18400] =	vst v63  }
0x73: {  	s31 =	simm.s32 $0xEC00  }
0x74: {  	[hbm4b:s5+s2] =	stream.indirect_vreg.scatter [tilespmem:s31], [sflag:$0x5], $0x80, v3, vm0, $0xb8;
	[tilespmem:$0x18400] =	vst v63  }
0x75: {  	s28 =	simm.s32 $0xF400  }
0x76: {  	[hbm4b:s6+s2] =	stream.indirect_vreg.scatter [tilespmem:s28], [sflag:$0x5], $0x80, v3, vm0, $0xb8;
	[tilespmem:$0x18400] =	vst v63  }
0x77: {  	s31 =	simm.s32 $0xFC00  }
0x78: {  	[hbm4b:s7+s2] =	stream.indirect_vreg.scatter [tilespmem:s31], [sflag:$0x5], $0x80, v3, vm0, $0xb8;
	[tilespmem:$0x18400] =	vst v63  }
0x79: {  	_ =	swait.ge [sflag:s23], $0x8000  }
0x7a: {  	[sflag:s23] =	ssyncset.done $0x0  }
0x7b: {  	s3 =	rddreg [dreg:$0x6];
	[sflag:s23] =	ssyncadd.s32 $0xFFFF8000  }
0x7c: {  	[tilespmem:s11], [sflag:$0x1] =	stream.linear.gather [hbm4b:s3+s2], $0x8000, $0x38;
	[tilespmem:$0x18400] =	vst v63  }
0x7d: {  	_ =	swait.ge [sflag:s26], $0x8000  }
0x7e: {  	[sflag:s26] =	ssyncset.done $0x0  }
0x7f: {  	[sflag:s26] =	ssyncadd.s32 $0xFFFF8000  }
0x80: {  	v3 =	vld [tilespmem:$0x100];
	_ =	sdelay $0x4  }
0x81: {  	v52 =	vshll.u32 v3, $0x3  }
0x82: {  	v3 =	vand.u32 $0x7, v3;
	v4 =	vand.u32 $0xFFFFFFC0, v52  }
0x83: {  	v3 =	vor.u32 v3, v4  }
0x84: {  	v4 =	vperm.xlane v3, v0;
	_ =	sdelay $0x1  }
0x85: {  	v4 =	vadd.s32 v1, v4;
	_ =	sdelay $0x4  }
0x86: {  	[hbm4b:s4+s2] =	stream.indirect_vreg.scatter [tilespmem:s10], [sflag:$0x6], $0x80, v4, vm0, $0xb8;
	[tilespmem:$0x18400] =	vst v63  }
0x87: {  	s31 =	simm.s32 $0x10C00;
	v3 =	vperm.xlane v3, v2  }
0x88: {  	[hbm4b:s5+s2] =	stream.indirect_vreg.scatter [tilespmem:s31], [sflag:$0x6], $0x80, v4, vm0, $0xb8;
	[tilespmem:$0x18400] =	vst v63  }
0x89: {  	s28 =	simm.s32 $0x11400;
	v3 =	vadd.s32 v1, v3  }
0x8a: {  	[hbm4b:s6+s2] =	stream.indirect_vreg.scatter [tilespmem:s28], [sflag:$0x6], $0x80, v4, vm0, $0xb8;
	[tilespmem:$0x18400] =	vst v63  }
0x8b: {  	s28 =	simm.s32 $0x11C00  }
0x8c: {  	[hbm4b:s7+s2] =	stream.indirect_vreg.scatter [tilespmem:s28], [sflag:$0x6], $0x80, v4, vm0, $0xb8;
	[tilespmem:$0x18400] =	vst v63  }
0x8d: {  	s28 =	simm.s32 $0x12400  }
0x8e: {  	[hbm4b:s4+s2] =	stream.indirect_vreg.scatter [tilespmem:s28], [sflag:$0x6], $0x80, v3, vm0, $0xb8;
	[tilespmem:$0x18400] =	vst v63  }
0x8f: {  	s28 =	simm.s32 $0x12C00  }
0x90: {  	[hbm4b:s5+s2] =	stream.indirect_vreg.scatter [tilespmem:s28], [sflag:$0x6], $0x80, v3, vm0, $0xb8;
	[tilespmem:$0x18400] =	vst v63  }
0x91: {  	s28 =	simm.s32 $0x13400  }
0x92: {  	[hbm4b:s6+s2] =	stream.indirect_vreg.scatter [tilespmem:s28], [sflag:$0x6], $0x80, v3, vm0, $0xb8;
	[tilespmem:$0x18400] =	vst v63  }
0x93: {  	s28 =	simm.s32 $0x13C00  }
0x94: {  	[hbm4b:s7+s2] =	stream.indirect_vreg.scatter [tilespmem:s28], [sflag:$0x6], $0x80, v3, vm0, $0xb8;
	[tilespmem:$0x18400] =	vst v63  }
0x95: {  	v3 =	vld [tilespmem:$0x110];
	_ =	sdelay $0x4  }
0x96: {  	v53 =	vshll.u32 v3, $0x3  }
0x97: {  	v3 =	vand.u32 $0x7, v3;
	v4 =	vand.u32 $0xFFFFFFC0, v53  }
0x98: {  	v3 =	vor.u32 v3, v4  }
0x99: {  	v4 =	vperm.xlane v3, v0;
	_ =	sdelay $0x1  }
0x9a: {  	v4 =	vadd.s32 v1, v4;
	_ =	sdelay $0x3  }
0x9b: {  	s28 =	simm.s32 $0x14400  }
0x9c: {  	[hbm4b:s4+s2] =	stream.indirect_vreg.scatter [tilespmem:s28], [sflag:$0x6], $0x80, v4, vm0, $0xb8;
	[tilespmem:$0x18400] =	vst v63  }
0x9d: {  	v3 =	vperm.xlane v3, v2;
	s28 =	simm.s32 $0x14C00  }
0x9e: {  	[hbm4b:s5+s2] =	stream.indirect_vreg.scatter [tilespmem:s28], [sflag:$0x6], $0x80, v4, vm0, $0xb8;
	[tilespmem:$0x18400] =	vst v63  }
0x9f: {  	v3 =	vadd.s32 v1, v3;
	s28 =	simm.s32 $0x15400  }
0xa0: {  	[hbm4b:s6+s2] =	stream.indirect_vreg.scatter [tilespmem:s28], [sflag:$0x6], $0x80, v4, vm0, $0xb8;
	[tilespmem:$0x18400] =	vst v63  }
0xa1: {  	s28 =	simm.s32 $0x15C00  }
0xa2: {  	[hbm4b:s7+s2] =	stream.indirect_vreg.scatter [tilespmem:s28], [sflag:$0x6], $0x80, v4, vm0, $0xb8;
	[tilespmem:$0x18400] =	vst v63  }
0xa3: {  	_ = 	snop  }
0xa4: {  	[hbm4b:s4+s2] =	stream.indirect_vreg.scatter [tilespmem:s21], [sflag:$0x6], $0x80, v3, vm0, $0xb8;
	[tilespmem:$0x18400] =	vst v63  }
0xa5: {  	_ = 	snop  }
0xa6: {  	[hbm4b:s5+s2] =	stream.indirect_vreg.scatter [tilespmem:s22], [sflag:$0x6], $0x80, v3, vm0, $0xb8;
	[tilespmem:$0x18400] =	vst v63  }
0xa7: {  	_ = 	snop  }
0xa8: {  	[hbm4b:s6+s2] =	stream.indirect_vreg.scatter [tilespmem:s24], [sflag:$0x6], $0x80, v3, vm0, $0xb8;
	[tilespmem:$0x18400] =	vst v63  }
0xa9: {  	_ = 	snop  }
0xaa: {  	[hbm4b:s7+s2] =	stream.indirect_vreg.scatter [tilespmem:s29], [sflag:$0x6], $0x80, v3, vm0, $0xb8;
	[tilespmem:$0x18400] =	vst v63  }
0xab: {  	_ =	swait.ge [sflag:s25], $0x8000  }
0xac: {  	[sflag:s25] =	ssyncset.done $0x0  }
0xad: {  	s3 =	rddreg [dreg:$0x7];
	[sflag:s25] =	ssyncadd.s32 $0xFFFF8000  }
0xae: {  	[tilespmem:s0], [sflag:$0x2] =	stream.linear.gather [hbm4b:s3+s2], $0x8000, $0x38;
	[tilespmem:$0x18400] =	vst v63  }
0xaf: {  	_ =	swait.ge [sflag:s1], $0x8000  }
0xb0: {  	[sflag:s1] =	ssyncset.done $0x0  }
0xb1: {  	[sflag:s1] =	ssyncadd.s32 $0xFFFF8000  }
0xb2: {  	v3 =	vld [tilespmem:$0x180];
	_ =	sdelay $0x4  }
0xb3: {  	v54 =	vshll.u32 v3, $0x3  }
0xb4: {  	v3 =	vand.u32 $0x7, v3;
	v4 =	vand.u32 $0xFFFFFFC0, v54  }
0xb5: {  	v3 =	vor.u32 v3, v4  }
0xb6: {  	v4 =	vperm.xlane v3, v0;
	_ =	sdelay $0x1  }
0xb7: {  	v4 =	vadd.s32 v1, v4;
	_ =	sdelay $0x4  }
0xb8: {  	[hbm4b:s4+s2] =	stream.indirect_vreg.scatter [tilespmem:s11], [sflag:$0x4], $0x80, v4, vm0, $0xb8;
	[tilespmem:$0x18400] =	vst v63  }
0xb9: {  	s12 =	simm.s32 $0xC00;
	v3 =	vperm.xlane v3, v2  }
0xba: {  	[hbm4b:s5+s2] =	stream.indirect_vreg.scatter [tilespmem:s12], [sflag:$0x4], $0x80, v4, vm0, $0xb8;
	[tilespmem:$0x18400] =	vst v63  }
0xbb: {  	s3 =	simm.s32 $0x1400;
	v3 =	vadd.s32 v1, v3  }
0xbc: {  	[hbm4b:s6+s2] =	stream.indirect_vreg.scatter [tilespmem:s3], [sflag:$0x4], $0x80, v4, vm0, $0xb8;
	[tilespmem:$0x18400] =	vst v63  }
0xbd: {  	s28 =	simm.s32 $0x1C00  }
0xbe: {  	[hbm4b:s7+s2] =	stream.indirect_vreg.scatter [tilespmem:s28], [sflag:$0x4], $0x80, v4, vm0, $0xb8;
	[tilespmem:$0x18400] =	vst v63  }
0xbf: {  	s3 =	simm.s32 $0x2400  }
0xc0: {  	[hbm4b:s4+s2] =	stream.indirect_vreg.scatter [tilespmem:s3], [sflag:$0x4], $0x80, v3, vm0, $0xb8;
	[tilespmem:$0x18400] =	vst v63  }
0xc1: {  	s28 =	simm.s32 $0x2C00  }
0xc2: {  	[hbm4b:s5+s2] =	stream.indirect_vreg.scatter [tilespmem:s28], [sflag:$0x4], $0x80, v3, vm0, $0xb8;
	[tilespmem:$0x18400] =	vst v63  }
0xc3: {  	s3 =	simm.s32 $0x3400  }
0xc4: {  	[hbm4b:s6+s2] =	stream.indirect_vreg.scatter [tilespmem:s3], [sflag:$0x4], $0x80, v3, vm0, $0xb8;
	[tilespmem:$0x18400] =	vst v63  }
0xc5: {  	s28 =	simm.s32 $0x3C00  }
0xc6: {  	[hbm4b:s7+s2] =	stream.indirect_vreg.scatter [tilespmem:s28], [sflag:$0x4], $0x80, v3, vm0, $0xb8;
	[tilespmem:$0x18400] =	vst v63  }
0xc7: {  	v3 =	vld [tilespmem:$0x190];
	_ =	sdelay $0x4  }
0xc8: {  	v55 =	vshll.u32 v3, $0x3  }
0xc9: {  	v3 =	vand.u32 $0x7, v3;
	v4 =	vand.u32 $0xFFFFFFC0, v55  }
0xca: {  	v3 =	vor.u32 v3, v4  }
0xcb: {  	v4 =	vperm.xlane v3, v0;
	_ =	sdelay $0x1  }
0xcc: {  	v4 =	vadd.s32 v1, v4;
	_ =	sdelay $0x3  }
0xcd: {  	s3 =	simm.s32 $0x4400  }
0xce: {  	[hbm4b:s4+s2] =	stream.indirect_vreg.scatter [tilespmem:s3], [sflag:$0x4], $0x80, v4, vm0, $0xb8;
	[tilespmem:$0x18400] =	vst v63  }
0xcf: {  	s28 =	simm.s32 $0x4C00;
	v3 =	vperm.xlane v3, v2  }
0xd0: {  	[hbm4b:s5+s2] =	stream.indirect_vreg.scatter [tilespmem:s28], [sflag:$0x4], $0x80, v4, vm0, $0xb8;
	[tilespmem:$0x18400] =	vst v63  }
0xd1: {  	v3 =	vadd.s32 v1, v3;
	s3 =	simm.s32 $0x5400  }
0xd2: {  	[hbm4b:s6+s2] =	stream.indirect_vreg.scatter [tilespmem:s3], [sflag:$0x4], $0x80, v4, vm0, $0xb8;
	[tilespmem:$0x18400] =	vst v63  }
0xd3: {  	s28 =	simm.s32 $0x5C00  }
0xd4: {  	[hbm4b:s7+s2] =	stream.indirect_vreg.scatter [tilespmem:s28], [sflag:$0x4], $0x80, v4, vm0, $0xb8;
	[tilespmem:$0x18400] =	vst v63  }
0xd5: {  	s3 =	simm.s32 $0x6400  }
0xd6: {  	[hbm4b:s4+s2] =	stream.indirect_vreg.scatter [tilespmem:s3], [sflag:$0x4], $0x80, v3, vm0, $0xb8;
	[tilespmem:$0x18400] =	vst v63  }
0xd7: {  	s28 =	simm.s32 $0x6C00  }
0xd8: {  	[hbm4b:s5+s2] =	stream.indirect_vreg.scatter [tilespmem:s28], [sflag:$0x4], $0x80, v3, vm0, $0xb8;
	[tilespmem:$0x18400] =	vst v63  }
0xd9: {  	s3 =	simm.s32 $0x7400  }
0xda: {  	[hbm4b:s6+s2] =	stream.indirect_vreg.scatter [tilespmem:s3], [sflag:$0x4], $0x80, v3, vm0, $0xb8;
	[tilespmem:$0x18400] =	vst v63  }
0xdb: {  	s12 =	simm.s32 $0x6;
	s28 =	simm.s32 $0x7C00  }
0xdc: {  	[hbm4b:s7+s2] =	stream.indirect_vreg.scatter [tilespmem:s28], [sflag:$0x4], $0x80, v3, vm0, $0xb8;
	[tilespmem:$0x18400] =	vst v63  }
0xdd: {  	_ =	swait.ge [sflag:s12], $0x8000  }
0xde: {  	[sflag:s12] =	ssyncset.done $0x0  }
0xdf: {  	s3 =	rddreg [dreg:$0x8];
	[sflag:s12] =	ssyncadd.s32 $0xFFFF8000  }
0xe0: {  	[tilespmem:s10], [sflag:$0x3] =	stream.linear.gather [hbm4b:s3+s2], $0x8000, $0x38;
	[tilespmem:$0x18400] =	vst v63  }
0xe1: {  	_ =	swait.ge [sflag:s30], $0x8000  }
0xe2: {  	[sflag:s30] =	ssyncset.done $0x0  }
0xe3: {  	[sflag:s30] =	ssyncadd.s32 $0xFFFF8000  }
0xe4: {  	v3 =	vld [tilespmem:$0x200];
	_ =	sdelay $0x4  }
0xe5: {  	v56 =	vshll.u32 v3, $0x3  }
0xe6: {  	v3 =	vand.u32 $0x7, v3;
	v4 =	vand.u32 $0xFFFFFFC0, v56  }
0xe7: {  	v3 =	vor.u32 v3, v4  }
0xe8: {  	v4 =	vperm.xlane v3, v0;
	_ =	sdelay $0x1  }
0xe9: {  	v4 =	vadd.s32 v1, v4;
	_ =	sdelay $0x4  }
0xea: {  	[hbm4b:s4+s2] =	stream.indirect_vreg.scatter [tilespmem:s0], [sflag:$0x5], $0x80, v4, vm0, $0xb8;
	[tilespmem:$0x18400] =	vst v63  }
0xeb: {  	s9 =	simm.s32 $0x8C00;
	v3 =	vperm.xlane v3, v2  }
0xec: {  	[hbm4b:s5+s2] =	stream.indirect_vreg.scatter [tilespmem:s9], [sflag:$0x5], $0x80, v4, vm0, $0xb8;
	[tilespmem:$0x18400] =	vst v63  }
0xed: {  	s3 =	simm.s32 $0x9400;
	v3 =	vadd.s32 v1, v3  }
0xee: {  	[hbm4b:s6+s2] =	stream.indirect_vreg.scatter [tilespmem:s3], [sflag:$0x5], $0x80, v4, vm0, $0xb8;
	[tilespmem:$0x18400] =	vst v63  }
0xef: {  	s9 =	simm.s32 $0x9C00  }
0xf0: {  	[hbm4b:s7+s2] =	stream.indirect_vreg.scatter [tilespmem:s9], [sflag:$0x5], $0x80, v4, vm0, $0xb8;
	[tilespmem:$0x18400] =	vst v63  }
0xf1: {  	_ = 	snop  }
0xf2: {  	[hbm4b:s4+s2] =	stream.indirect_vreg.scatter [tilespmem:s13], [sflag:$0x5], $0x80, v3, vm0, $0xb8;
	[tilespmem:$0x18400] =	vst v63  }
0xf3: {  	_ = 	snop  }
0xf4: {  	[hbm4b:s5+s2] =	stream.indirect_vreg.scatter [tilespmem:s14], [sflag:$0x5], $0x80, v3, vm0, $0xb8;
	[tilespmem:$0x18400] =	vst v63  }
0xf5: {  	_ = 	snop  }
0xf6: {  	[hbm4b:s6+s2] =	stream.indirect_vreg.scatter [tilespmem:s15], [sflag:$0x5], $0x80, v3, vm0, $0xb8;
	[tilespmem:$0x18400] =	vst v63  }
0xf7: {  	s16 =	simm.s32 $0xBC00  }
0xf8: {  	[hbm4b:s7+s2] =	stream.indirect_vreg.scatter [tilespmem:s16], [sflag:$0x5], $0x80, v3, vm0, $0xb8;
	[tilespmem:$0x18400] =	vst v63  }
0xf9: {  	v3 =	vld [tilespmem:$0x210];
	_ =	sdelay $0x4  }
0xfa: {  	v57 =	vshll.u32 v3, $0x3  }
0xfb: {  	v3 =	vand.u32 $0x7, v3;
	v4 =	vand.u32 $0xFFFFFFC0, v57  }
0xfc: {  	v3 =	vor.u32 v3, v4  }
0xfd: {  	v4 =	vperm.xlane v3, v0;
	_ =	sdelay $0x1  }
0xfe: {  	v4 =	vadd.s32 v1, v4;
	_ =	sdelay $0x3  }
0xff: {  	s17 =	simm.s32 $0xC400  }
0x100: {  	[hbm4b:s4+s2] =	stream.indirect_vreg.scatter [tilespmem:s17], [sflag:$0x5], $0x80, v4, vm0, $0xb8;
	[tilespmem:$0x18400] =	vst v63  }
0x101: {  	s18 =	simm.s32 $0xCC00;
	v3 =	vperm.xlane v3, v2  }
0x102: {  	[hbm4b:s5+s2] =	stream.indirect_vreg.scatter [tilespmem:s18], [sflag:$0x5], $0x80, v4, vm0, $0xb8;
	[tilespmem:$0x18400] =	vst v63  }
0x103: {  	s16 =	simm.s32 $0xD400;
	v3 =	vadd.s32 v1, v3  }
0x104: {  	[hbm4b:s6+s2] =	stream.indirect_vreg.scatter [tilespmem:s16], [sflag:$0x5], $0x80, v4, vm0, $0xb8;
	[tilespmem:$0x18400] =	vst v63  }
0x105: {  	s17 =	simm.s32 $0xDC00  }
0x106: {  	[hbm4b:s7+s2] =	stream.indirect_vreg.scatter [tilespmem:s17], [sflag:$0x5], $0x80, v4, vm0, $0xb8;
	[tilespmem:$0x18400] =	vst v63  }
0x107: {  	s18 =	simm.s32 $0xE400  }
0x108: {  	[hbm4b:s4+s2] =	stream.indirect_vreg.scatter [tilespmem:s18], [sflag:$0x5], $0x80, v3, vm0, $0xb8;
	[tilespmem:$0x18400] =	vst v63  }
0x109: {  	_ = 	snop  }
0x10a: {  	[hbm4b:s5+s2] =	stream.indirect_vreg.scatter [tilespmem:s19], [sflag:$0x5], $0x80, v3, vm0, $0xb8;
	[tilespmem:$0x18400] =	vst v63  }
0x10b: {  	_ = 	snop  }
0x10c: {  	[hbm4b:s6+s2] =	stream.indirect_vreg.scatter [tilespmem:s20], [sflag:$0x5], $0x80, v3, vm0, $0xb8;
	[tilespmem:$0x18400] =	vst v63  }
0x10d: {  	s28 =	simm.s32 $0xFC00  }
0x10e: {  	[hbm4b:s7+s2] =	stream.indirect_vreg.scatter [tilespmem:s28], [sflag:$0x5], $0x80, v3, vm0, $0xb8;
	[tilespmem:$0x18400] =	vst v63  }
0x10f: {  	_ =	swait.ge [sflag:s23], $0x8000  }
0x110: {  	[sflag:s23] =	ssyncset.done $0x0  }
0x111: {  	s28 =	rddreg [dreg:$0x9];
	[sflag:s23] =	ssyncadd.s32 $0xFFFF8000  }
0x112: {  	[tilespmem:s11], [sflag:$0x1] =	stream.linear.gather [hbm4b:s28+s2], $0x8000, $0x38;
	[tilespmem:$0x18400] =	vst v63  }
0x113: {  	_ =	swait.ge [sflag:s26], $0x8000  }
0x114: {  	[sflag:s26] =	ssyncset.done $0x0  }
0x115: {  	[sflag:s26] =	ssyncadd.s32 $0xFFFF8000  }
0x116: {  	v3 =	vld [tilespmem:$0x280];
	_ =	sdelay $0x4  }
0x117: {  	v58 =	vshll.u32 v3, $0x3  }
0x118: {  	v3 =	vand.u32 $0x7, v3;
	v4 =	vand.u32 $0xFFFFFFC0, v58  }
0x119: {  	v3 =	vor.u32 v3, v4  }
0x11a: {  	v4 =	vperm.xlane v3, v0;
	_ =	sdelay $0x1  }
0x11b: {  	v4 =	vadd.s32 v1, v4;
	_ =	sdelay $0x4  }
0x11c: {  	[hbm4b:s4+s2] =	stream.indirect_vreg.scatter [tilespmem:s10], [sflag:$0x6], $0x80, v4, vm0, $0xb8;
	[tilespmem:$0x18400] =	vst v63  }
0x11d: {  	v3 =	vperm.xlane v3, v2  }
0x11e: {  	[hbm4b:s5+s2] =	stream.indirect_vreg.scatter [tilespmem:s31], [sflag:$0x6], $0x80, v4, vm0, $0xb8;
	[tilespmem:$0x18400] =	vst v63  }
0x11f: {  	s28 =	simm.s32 $0x11400;
	v3 =	vadd.s32 v1, v3  }
0x120: {  	[hbm4b:s6+s2] =	stream.indirect_vreg.scatter [tilespmem:s28], [sflag:$0x6], $0x80, v4, vm0, $0xb8;
	[tilespmem:$0x18400] =	vst v63  }
0x121: {  	s31 =	simm.s32 $0x11C00  }
0x122: {  	[hbm4b:s7+s2] =	stream.indirect_vreg.scatter [tilespmem:s31], [sflag:$0x6], $0x80, v4, vm0, $0xb8;
	[tilespmem:$0x18400] =	vst v63  }
0x123: {  	s28 =	simm.s32 $0x12400  }
0x124: {  	[hbm4b:s4+s2] =	stream.indirect_vreg.scatter [tilespmem:s28], [sflag:$0x6], $0x80, v3, vm0, $0xb8;
	[tilespmem:$0x18400] =	vst v63  }
0x125: {  	s31 =	simm.s32 $0x12C00  }
0x126: {  	[hbm4b:s5+s2] =	stream.indirect_vreg.scatter [tilespmem:s31], [sflag:$0x6], $0x80, v3, vm0, $0xb8;
	[tilespmem:$0x18400] =	vst v63  }
0x127: {  	s28 =	simm.s32 $0x13400  }
0x128: {  	[hbm4b:s6+s2] =	stream.indirect_vreg.scatter [tilespmem:s28], [sflag:$0x6], $0x80, v3, vm0, $0xb8;
	[tilespmem:$0x18400] =	vst v63  }
0x129: {  	s31 =	simm.s32 $0x13C00  }
0x12a: {  	[hbm4b:s7+s2] =	stream.indirect_vreg.scatter [tilespmem:s31], [sflag:$0x6], $0x80, v3, vm0, $0xb8;
	[tilespmem:$0x18400] =	vst v63  }
0x12b: {  	v3 =	vld [tilespmem:$0x290];
	_ =	sdelay $0x4  }
0x12c: {  	v59 =	vshll.u32 v3, $0x3  }
0x12d: {  	v3 =	vand.u32 $0x7, v3;
	v4 =	vand.u32 $0xFFFFFFC0, v59  }
0x12e: {  	v3 =	vor.u32 v3, v4  }
0x12f: {  	v4 =	vperm.xlane v3, v0;
	_ =	sdelay $0x1  }
0x130: {  	v4 =	vadd.s32 v1, v4;
	_ =	sdelay $0x3  }
0x131: {  	s28 =	simm.s32 $0x14400  }
0x132: {  	[hbm4b:s4+s2] =	stream.indirect_vreg.scatter [tilespmem:s28], [sflag:$0x6], $0x80, v4, vm0, $0xb8;
	[tilespmem:$0x18400] =	vst v63  }
0x133: {  	s31 =	simm.s32 $0x14C00;
	v3 =	vperm.xlane v3, v2  }
0x134: {  	[hbm4b:s5+s2] =	stream.indirect_vreg.scatter [tilespmem:s31], [sflag:$0x6], $0x80, v4, vm0, $0xb8;
	[tilespmem:$0x18400] =	vst v63  }
0x135: {  	v3 =	vadd.s32 v1, v3;
	s28 =	simm.s32 $0x15400  }
0x136: {  	[hbm4b:s6+s2] =	stream.indirect_vreg.scatter [tilespmem:s28], [sflag:$0x6], $0x80, v4, vm0, $0xb8;
	[tilespmem:$0x18400] =	vst v63  }
0x137: {  	s31 =	simm.s32 $0x15C00  }
0x138: {  	[hbm4b:s7+s2] =	stream.indirect_vreg.scatter [tilespmem:s31], [sflag:$0x6], $0x80, v4, vm0, $0xb8;
	[tilespmem:$0x18400] =	vst v63  }
0x139: {  	_ = 	snop  }
0x13a: {  	[hbm4b:s4+s2] =	stream.indirect_vreg.scatter [tilespmem:s21], [sflag:$0x6], $0x80, v3, vm0, $0xb8;
	[tilespmem:$0x18400] =	vst v63  }
0x13b: {  	_ = 	snop  }
0x13c: {  	[hbm4b:s5+s2] =	stream.indirect_vreg.scatter [tilespmem:s22], [sflag:$0x6], $0x80, v3, vm0, $0xb8;
	[tilespmem:$0x18400] =	vst v63  }
0x13d: {  	_ = 	snop  }
0x13e: {  	[hbm4b:s6+s2] =	stream.indirect_vreg.scatter [tilespmem:s24], [sflag:$0x6], $0x80, v3, vm0, $0xb8;
	[tilespmem:$0x18400] =	vst v63  }
0x13f: {  	_ = 	snop  }
0x140: {  	[hbm4b:s7+s2] =	stream.indirect_vreg.scatter [tilespmem:s29], [sflag:$0x6], $0x80, v3, vm0, $0xb8;
	[tilespmem:$0x18400] =	vst v63  }
0x141: {  	_ =	swait.ge [sflag:s25], $0x8000  }
0x142: {  	[sflag:s25] =	ssyncset.done $0x0  }
0x143: {  	s10 =	rddreg [dreg:$0xa];
	[sflag:s25] =	ssyncadd.s32 $0xFFFF8000  }
0x144: {  	[tilespmem:s0], [sflag:$0x2] =	stream.linear.gather [hbm4b:s10+s2], $0x8000, $0x38;
	[tilespmem:$0x18400] =	vst v63  }
0x145: {  	_ =	swait.ge [sflag:s1], $0x8000  }
0x146: {  	[sflag:s1] =	ssyncset.done $0x0  }
0x147: {  	[sflag:s1] =	ssyncadd.s32 $0xFFFF8000  }
0x148: {  	v3 =	vld [tilespmem:$0x300];
	_ =	sdelay $0x4  }
0x149: {  	v60 =	vshll.u32 v3, $0x3  }
0x14a: {  	v3 =	vand.u32 $0x7, v3;
	v4 =	vand.u32 $0xFFFFFFC0, v60  }
0x14b: {  	v3 =	vor.u32 v3, v4  }
0x14c: {  	v4 =	vperm.xlane v3, v0;
	_ =	sdelay $0x1  }
0x14d: {  	v4 =	vadd.s32 v1, v4;
	_ =	sdelay $0x4  }
0x14e: {  	[hbm4b:s4+s2] =	stream.indirect_vreg.scatter [tilespmem:s11], [sflag:$0x4], $0x80, v4, vm0, $0xb8;
	[tilespmem:$0x18400] =	vst v63  }
0x14f: {  	s28 =	simm.s32 $0xC00;
	v3 =	vperm.xlane v3, v2  }
0x150: {  	[hbm4b:s5+s2] =	stream.indirect_vreg.scatter [tilespmem:s28], [sflag:$0x4], $0x80, v4, vm0, $0xb8;
	[tilespmem:$0x18400] =	vst v63  }
0x151: {  	s31 =	simm.s32 $0x1400;
	v3 =	vadd.s32 v1, v3  }
0x152: {  	[hbm4b:s6+s2] =	stream.indirect_vreg.scatter [tilespmem:s31], [sflag:$0x4], $0x80, v4, vm0, $0xb8;
	[tilespmem:$0x18400] =	vst v63  }
0x153: {  	s28 =	simm.s32 $0x1C00  }
0x154: {  	[hbm4b:s7+s2] =	stream.indirect_vreg.scatter [tilespmem:s28], [sflag:$0x4], $0x80, v4, vm0, $0xb8;
	[tilespmem:$0x18400] =	vst v63  }
0x155: {  	s31 =	simm.s32 $0x2400  }
0x156: {  	[hbm4b:s4+s2] =	stream.indirect_vreg.scatter [tilespmem:s31], [sflag:$0x4], $0x80, v3, vm0, $0xb8;
	[tilespmem:$0x18400] =	vst v63  }
0x157: {  	s28 =	simm.s32 $0x2C00  }
0x158: {  	[hbm4b:s5+s2] =	stream.indirect_vreg.scatter [tilespmem:s28], [sflag:$0x4], $0x80, v3, vm0, $0xb8;
	[tilespmem:$0x18400] =	vst v63  }
0x159: {  	s31 =	simm.s32 $0x3400  }
0x15a: {  	[hbm4b:s6+s2] =	stream.indirect_vreg.scatter [tilespmem:s31], [sflag:$0x4], $0x80, v3, vm0, $0xb8;
	[tilespmem:$0x18400] =	vst v63  }
0x15b: {  	s28 =	simm.s32 $0x3C00  }
0x15c: {  	[hbm4b:s7+s2] =	stream.indirect_vreg.scatter [tilespmem:s28], [sflag:$0x4], $0x80, v3, vm0, $0xb8;
	[tilespmem:$0x18400] =	vst v63  }
0x15d: {  	v3 =	vld [tilespmem:$0x310];
	_ =	sdelay $0x4  }
0x15e: {  	v61 =	vshll.u32 v3, $0x3  }
0x15f: {  	v3 =	vand.u32 $0x7, v3;
	v4 =	vand.u32 $0xFFFFFFC0, v61  }
0x160: {  	v3 =	vor.u32 v3, v4  }
0x161: {  	v4 =	vperm.xlane v3, v0;
	_ =	sdelay $0x1  }
0x162: {  	v4 =	vadd.s32 v1, v4;
	_ =	sdelay $0x3  }
0x163: {  	s31 =	simm.s32 $0x4400  }
0x164: {  	[hbm4b:s4+s2] =	stream.indirect_vreg.scatter [tilespmem:s31], [sflag:$0x4], $0x80, v4, vm0, $0xb8;
	[tilespmem:$0x18400] =	vst v63  }
0x165: {  	s28 =	simm.s32 $0x4C00;
	v3 =	vperm.xlane v3, v2  }
0x166: {  	[hbm4b:s5+s2] =	stream.indirect_vreg.scatter [tilespmem:s28], [sflag:$0x4], $0x80, v4, vm0, $0xb8;
	[tilespmem:$0x18400] =	vst v63  }
0x167: {  	v3 =	vadd.s32 v1, v3;
	s31 =	simm.s32 $0x5400  }
0x168: {  	[hbm4b:s6+s2] =	stream.indirect_vreg.scatter [tilespmem:s31], [sflag:$0x4], $0x80, v4, vm0, $0xb8;
	[tilespmem:$0x18400] =	vst v63  }
0x169: {  	s28 =	simm.s32 $0x5C00  }
0x16a: {  	[hbm4b:s7+s2] =	stream.indirect_vreg.scatter [tilespmem:s28], [sflag:$0x4], $0x80, v4, vm0, $0xb8;
	[tilespmem:$0x18400] =	vst v63  }
0x16b: {  	s31 =	simm.s32 $0x6400  }
0x16c: {  	[hbm4b:s4+s2] =	stream.indirect_vreg.scatter [tilespmem:s31], [sflag:$0x4], $0x80, v3, vm0, $0xb8;
	[tilespmem:$0x18400] =	vst v63  }
0x16d: {  	s28 =	simm.s32 $0x6C00  }
0x16e: {  	[hbm4b:s5+s2] =	stream.indirect_vreg.scatter [tilespmem:s28], [sflag:$0x4], $0x80, v3, vm0, $0xb8;
	[tilespmem:$0x18400] =	vst v63  }
0x16f: {  	s31 =	simm.s32 $0x7400  }
0x170: {  	[hbm4b:s6+s2] =	stream.indirect_vreg.scatter [tilespmem:s31], [sflag:$0x4], $0x80, v3, vm0, $0xb8;
	[tilespmem:$0x18400] =	vst v63  }
0x171: {  	s28 =	simm.s32 $0x7C00  }
0x172: {  	[hbm4b:s7+s2] =	stream.indirect_vreg.scatter [tilespmem:s28], [sflag:$0x4], $0x80, v3, vm0, $0xb8;
	[tilespmem:$0x18400] =	vst v63  }
0x173: {  	_ =	swait.ge [sflag:s30], $0x8000  }
0x174: {  	[sflag:s30] =	ssyncset.done $0x0  }
0x175: {  	[sflag:s30] =	ssyncadd.s32 $0xFFFF8000  }
0x176: {  	v3 =	vld [tilespmem:$0x380];
	_ =	sdelay $0x4  }
0x177: {  	v62 =	vshll.u32 v3, $0x3  }
0x178: {  	v3 =	vand.u32 $0x7, v3;
	v4 =	vand.u32 $0xFFFFFFC0, v62  }
0x179: {  	v3 =	vor.u32 v3, v4  }
0x17a: {  	v4 =	vperm.xlane v3, v0;
	_ =	sdelay $0x1  }
0x17b: {  	v4 =	vadd.s32 v1, v4;
	_ =	sdelay $0x4  }
0x17c: {  	[hbm4b:s4+s2] =	stream.indirect_vreg.scatter [tilespmem:s0], [sflag:$0x5], $0x80, v4, vm0, $0xb8;
	[tilespmem:$0x18400] =	vst v63  }
0x17d: {  	s31 =	simm.s32 $0x8C00;
	v3 =	vperm.xlane v3, v2  }
0x17e: {  	[hbm4b:s5+s2] =	stream.indirect_vreg.scatter [tilespmem:s31], [sflag:$0x5], $0x80, v4, vm0, $0xb8;
	[tilespmem:$0x18400] =	vst v63  }
0x17f: {  	v3 =	vadd.s32 v1, v3  }
0x180: {  	[hbm4b:s6+s2] =	stream.indirect_vreg.scatter [tilespmem:s3], [sflag:$0x5], $0x80, v4, vm0, $0xb8;
	[tilespmem:$0x18400] =	vst v63  }
0x181: {  	_ = 	snop  }
0x182: {  	[hbm4b:s7+s2] =	stream.indirect_vreg.scatter [tilespmem:s9], [sflag:$0x5], $0x80, v4, vm0, $0xb8;
	[tilespmem:$0x18400] =	vst v63  }
0x183: {  	_ = 	snop  }
0x184: {  	[hbm4b:s4+s2] =	stream.indirect_vreg.scatter [tilespmem:s13], [sflag:$0x5], $0x80, v3, vm0, $0xb8;
	[tilespmem:$0x18400] =	vst v63  }
0x185: {  	_ = 	snop  }
0x186: {  	[hbm4b:s5+s2] =	stream.indirect_vreg.scatter [tilespmem:s14], [sflag:$0x5], $0x80, v3, vm0, $0xb8;
	[tilespmem:$0x18400] =	vst v63  }
0x187: {  	_ = 	snop  }
0x188: {  	[hbm4b:s6+s2] =	stream.indirect_vreg.scatter [tilespmem:s15], [sflag:$0x5], $0x80, v3, vm0, $0xb8;
	[tilespmem:$0x18400] =	vst v63  }
0x189: {  	s9 =	simm.s32 $0xBC00  }
0x18a: {  	[hbm4b:s7+s2] =	stream.indirect_vreg.scatter [tilespmem:s9], [sflag:$0x5], $0x80, v3, vm0, $0xb8;
	[tilespmem:$0x18400] =	vst v63  }
0x18b: {  	v3 =	vld [tilespmem:$0x390];
	_ =	sdelay $0x4  }
0x18c: {  	v63 =	vshll.u32 v3, $0x3  }
0x18d: {  	v3 =	vand.u32 $0x7, v3;
	v4 =	vand.u32 $0xFFFFFFC0, v63  }
0x18e: {  	v3 =	vor.u32 v3, v4  }
0x18f: {  	v4 =	vperm.xlane v3, v0;
	_ =	sdelay $0x1  }
0x190: {  	v4 =	vadd.s32 v1, v4;
	_ =	sdelay $0x3  }
0x191: {  	s10 =	simm.s32 $0xC400  }
0x192: {  	[hbm4b:s4+s2] =	stream.indirect_vreg.scatter [tilespmem:s10], [sflag:$0x5], $0x80, v4, vm0, $0xb8;
	[tilespmem:$0x18400] =	vst v63  }
0x193: {  	s28 =	simm.s32 $0xCC00;
	v3 =	vperm.xlane v3, v2  }
0x194: {  	[hbm4b:s5+s2] =	stream.indirect_vreg.scatter [tilespmem:s28], [sflag:$0x5], $0x80, v4, vm0, $0xb8;
	[tilespmem:$0x18400] =	vst v63  }
0x195: {  	v3 =	vadd.s32 v1, v3  }
0x196: {  	[hbm4b:s6+s2] =	stream.indirect_vreg.scatter [tilespmem:s16], [sflag:$0x5], $0x80, v4, vm0, $0xb8;
	[tilespmem:$0x18400] =	vst v63  }
0x197: {  	_ = 	snop  }
0x198: {  	[hbm4b:s7+s2] =	stream.indirect_vreg.scatter [tilespmem:s17], [sflag:$0x5], $0x80, v4, vm0, $0xb8;
	[tilespmem:$0x18400] =	vst v63  }
0x199: {  	_ = 	snop  }
0x19a: {  	[hbm4b:s4+s2] =	stream.indirect_vreg.scatter [tilespmem:s18], [sflag:$0x5], $0x80, v3, vm0, $0xb8;
	[tilespmem:$0x18400] =	vst v63  }
0x19b: {  	_ = 	snop  }
0x19c: {  	[hbm4b:s5+s2] =	stream.indirect_vreg.scatter [tilespmem:s19], [sflag:$0x5], $0x80, v3, vm0, $0xb8;
	[tilespmem:$0x18400] =	vst v63  }
0x19d: {  	_ = 	snop  }
0x19e: {  	[hbm4b:s6+s2] =	stream.indirect_vreg.scatter [tilespmem:s20], [sflag:$0x5], $0x80, v3, vm0, $0xb8;
	[tilespmem:$0x18400] =	vst v63  }
0x19f: {  	s31 =	simm.s32 $0xFC00  }
0x1a0: {  	[hbm4b:s7+s2] =	stream.indirect_vreg.scatter [tilespmem:s31], [sflag:$0x5], $0x80, v3, vm0, $0xb8;
	[tilespmem:$0x18400] =	vst v63  }
0x1a1: {  	_ =	swait.ge [sflag:s12], $0x8000  }
0x1a2: {  	[sflag:s12] =	ssyncset.done $0x0  }
0x1a3: {  	[sflag:s12] =	ssyncadd.s32 $0xFFFF8000  }
0x1a4: {  	p0 =	sne.s32 s8, $0x1;
	_ =	swait.ge [sflag:s23], $0x8000  }
.Ltmp0:
0x1a5: {  	[sflag:s23] =	ssyncset.done $0x0;
	(pc) =	sbr.rel @p0 .LBB2_1-.Ltmp0, $4  }
0x1a6: {  	[sflag:s23] =	ssyncadd.s32 $0xFFFF8000  }
0x1a7: {  	_ =	swait.ge [sflag:s25], $0x8000  }
0x1a8: {  	[sflag:s25] =	ssyncset.done $0x0  }
0x1a9: {  	s8 =	sadd.s32 $0xFFFFFFFF, s8;
	[sflag:s25] =	ssyncadd.s32 $0xFFFF8000  }
0x1aa: {  	_ =	sfence.sel $0x180000  }
0x1ab: {  	[bflag:$0x0] =	sbarrier.arrive $0xFFFF  }
0x1ac: {  	_ =	strace $0x90000047  }
0x1ad: {  	s0 =	stileid.u32;
	[bflag:$0x2] =	sbarrier.arrive $0xFFFF  }
0x1ae: {  	p0 =	sne.s32 s0, $0x0;
	s0 =	rddreg [dreg:$0x2]  }
0x1af: {  	s0 =	sadd.s32 @!p0 $0x100000, s0  }
0x1b0: {  	[sflag:s0] =	ssyncadd.tile.s32 @!p0 $0x1;
	_ =	shalt  }
.Lfunc_end2:
_tile_overlayer_lowered:
.L_overlay_start_2:
0x1b1: {  	(tag) =	ssettag $0x2  }
0x1b2: {  	s0 =	rddreg [dreg:$0x0];
	s2 =	stileid.u32  }
0x1b3: {  	s1 =	rddreg [dreg:$0x1];
	p0 =	sne.s32 s2, $0x0  }
0x1b4: {  	s3 =	rddreg [dreg:$0x2];
	[bflag:$0x3] =	sbarrier.arrive $0xFFFF;
	s2 =	simm.s32 @!p0 $0x1C07  }
0x1b5: {  	[timem:s3], [sflag:s2] =	dma.local @!p0 [hbm:s0], s1  }
0x1b6: {  	s0 =	simm.s32 @!p0 $0x7  }
0x1b7: {  	_ =	swait.ge @!p0 [sflag:s0], s1  }
0x1b8: {  	s1 =	ssub.s32 @!p0 $0x0, s1;
	[sflag:s0] =	ssyncset.done @!p0 $0x0  }
0x1b9: {  	[sflag:s0] =	ssyncadd.s32 @!p0 s1  }
0x1ba: {  	[bflag:$0x3] =	sbarrier.arrive $0xFFFF  }
0x1bb: {  	_ =	shalt  }

</sc_bundles>
